<compile_context>
chip_gen: v7x
topology: tpu7x:2x2x1
jax: 0.10.2.dev20260603
libtpu: 0.0.44.dev20260713+nightly
codegen_flags: <defaults>
</compile_context>

<pallas_src>
import functools

import jax
import jax.numpy as jnp
from jax import lax
from jax.experimental import pallas as pl
from jax.experimental.pallas import tpu as pltpu
from jax.experimental.pallas import tpu_sc as plsc

VOCAB = 1000000
DM = 64
DMP = 128
SEQ = 200
BATCH = 4096

NC, NS = 2, 16
NW = NC * NS
ROWS = BATCH * SEQ
RPW = ROWS // NW
BPW = BATCH // NW
G1 = 128
G2 = SEQ - G1
NBUF = 4
LANES = 16
GRP = DM // LANES


def _make_kernel():
    mesh = plsc.VectorSubcoreMesh(core_axis_name="c", subcore_axis_name="s")

    @functools.partial(
        pl.kernel,
        mesh=mesh,
        out_type=jax.ShapeDtypeStruct((BATCH, SEQ, DMP), jnp.float32),
        compiler_params=pltpu.CompilerParams(use_tc_tiling_on_sc=False),
        scratch_types=[
            pltpu.VMEM((RPW,), jnp.int32),
            pltpu.VMEM((SEQ, DM), jnp.float32),
            pltpu.VMEM((NBUF, SEQ, DM), jnp.float32),
            pltpu.SemaphoreType.DMA((NBUF,)),
            pltpu.SemaphoreType.DMA((NBUF,)),
        ],
    )
    def emb_kernel(idx_hbm, table_hbm, pos_hbm, out_hbm,
                   idx_v, pos_v, rows_v, gsem, osem):
        wid = lax.axis_index("s") * NC + lax.axis_index("c")
        base = wid * RPW
        bbase = wid * BPW
        pltpu.sync_copy(idx_hbm.at[pl.ds(base, RPW)], idx_v)
        pltpu.sync_copy(pos_hbm, pos_v)

        def gather1(j, b):
            return pltpu.make_async_copy(
                table_hbm.at[idx_v.at[pl.ds(j * SEQ, G1)]],
                rows_v.at[b, pl.ds(0, G1)], gsem.at[b])

        def gather2(j, b):
            return pltpu.make_async_copy(
                table_hbm.at[idx_v.at[pl.ds(j * SEQ + G1, G2)]],
                rows_v.at[b, pl.ds(G1, G2)], gsem.at[b])

        def outcopy(j, b):
            return pltpu.make_async_copy(
                rows_v.at[b], out_hbm.at[bbase + j, :, pl.ds(0, DM)],
                osem.at[b])

        def add_pos(b):
            @plsc.parallel_loop(0, SEQ, 1, unroll=4)
            def _(r):
                for g in range(GRP):
                    plsc.addupdate(rows_v.at[b, r, pl.ds(g * LANES, LANES)],
                                   pos_v[r, pl.ds(g * LANES, LANES)])

        for b in range(NBUF):
            gather1(b, b).start()
            gather2(b, b).start()

        def outer(t, carry):
            jj = t * NBUF
            for b in range(NBUF):
                j = jj + b
                gather1(j, b).wait()
                gather2(j, b).wait()
                add_pos(b)
                outcopy(j, b).start()
                jp = j - 1
                bp = (b - 1) % NBUF
                jn = jp + NBUF

                @pl.when((jp >= 0) & (jn < BPW))
                def _():
                    outcopy(jp, bp).wait()
                    gather1(jn, bp).start()
                    gather2(jn, bp).start()

            return carry

        lax.fori_loop(0, BPW // NBUF, outer, 0)
        for k in range(NBUF):
            j = BPW - NBUF + k
            outcopy(j, j % NBUF).wait()

    return emb_kernel


_emb = _make_kernel()


@jax.jit
def kernel(x, emb_table, pos_table):
    flat2 = x.reshape(-1).astype(jnp.int32) * 2
    tab_p = jnp.pad(emb_table, ((0, 0), (0, DMP - DM))).reshape(2 * VOCAB, DM)
    out_p = _emb(flat2, tab_p, pos_table)
    return out_p[:, :, :DM]

# --- scband reference (transcript-rebuilt; emitter-appended) ---
"""Pipeline reference for scband-embedding-78460462563333 (READ-ONLY COPY).

The authoritative reference and input builder live on the scoring server;
editing this copy changes nothing except your own understanding.
"""

import jax, jax.numpy as jnp
import numpy as np

VOCAB = 1000000
DM = 64
MAX_LEN = 200
BATCH = 4096
SEQ = 200


def setup_inputs(seed: int = 0) -> dict:
    key = jax.random.key(seed)
    k1, k2, k3 = jax.random.split(key, 3)
    x = jax.random.randint(k1, (BATCH, SEQ), 0, VOCAB, dtype=jnp.int64 if jax.config.jax_enable_x64 else jnp.int32).astype(jnp.int32)
    emb_table = jax.random.normal(k2, (VOCAB, DM), dtype=jnp.float32)
    pos_table = jax.random.normal(k3, (MAX_LEN, DM), dtype=jnp.float32)
    return {"x": x, "emb_table": emb_table, "pos_table": pos_table}


def reference(x, emb_table, pos_table):
    # token embedding lookup: emb(x)
    tok = jnp.take(emb_table, x, axis=0)  # [B, S, DM]
    # positional ids: y[b, i] = i
    pos_ids = jnp.broadcast_to(jnp.arange(x.shape[1], dtype=x.dtype), x.shape)
    pos = jnp.take(pos_table, pos_ids, axis=0)  # [B, S, DM]
    out = tok + pos
    # nn.Dropout(p=0.1) is identity in eval / deterministic reference mode
    return out

if __name__ == "__main__":
    import jax
    _d = setup_inputs()
    print(jax.jit(kernel)(*tuple(_d.values())))

</pallas_src>

<mosaic_0001>
#map = affine_map<(d0, d1) -> (0)>
#map1 = affine_map<(d0, d1) -> (0, 0)>
#map2 = affine_map<(d0, d1) -> (0, 0, 0)>
module attributes {stable_mosaic.version = 14 : i64} {
  func.func @emb_kernel(%arg0: i32, %arg1: i32, %arg2: memref<819200xi32, #tpu.memory_space<hbm>>, %arg3: memref<2000000x64xf32, #tpu.memory_space<hbm>>, %arg4: memref<200x64xf32, #tpu.memory_space<hbm>>, %arg5: memref<4096x200x128xf32, #tpu.memory_space<hbm>>, %arg6: memref<25600xi32, #tpu.memory_space<vmem>>, %arg7: memref<200x64xf32, #tpu.memory_space<vmem>>, %arg8: memref<4x200x64xf32, #tpu.memory_space<vmem>>, %arg9: memref<4x!tpu.dma_semaphore, #tpu.memory_space<semaphore_mem>>, %arg10: memref<4x!tpu.dma_semaphore, #tpu.memory_space<semaphore_mem>>) attributes {dimension_semantics = [#tpu.dimension_semantics<core_parallel>, #tpu.dimension_semantics<subcore_parallel>], iteration_bounds = array<i64: 2, 16>, scalar_prefetch = 0 : i64, scratch_operands = 5 : i64, tpu.core_type = #tpu.core_type<sc_vector_subcore>, window_params = [{transform_indices = #map}, {transform_indices = #map1}, {transform_indices = #map1}, {transform_indices = #map2}]} {
    %mul3A = arith.constant 2 : i32
    %mul3A_0 = arith.muli %arg1, %mul3A : i32
    %add3A = arith.addi %mul3A_0, %arg0 : i32
    %mul3A_1 = arith.constant 25600 : i32
    %mul3A_2 = arith.muli %add3A, %mul3A_1 : i32
    %mul3A_3 = arith.constant 128 : i32
    %mul3A_4 = arith.muli %add3A, %mul3A_3 : i32
    "tpu.region"() ({
      %run_scoped3A = tpu.sem_alloc : memref<!tpu.dma_semaphore, #tpu.memory_space<semaphore_mem>>
      %dma_start3A_200 = tpu.memref_slice %arg2[%mul3A_2] : memref<819200xi32, #tpu.memory_space<hbm>> -> memref<25600xi32, #tpu.memory_space<hbm>>
      %dma_start3A_201 = tpu.memref_slice %arg2[%mul3A_2] : memref<819200xi32, #tpu.memory_space<hbm>> -> memref<25600xi32, #tpu.memory_space<hbm>>
      tpu.enqueue_dma source(%dma_start3A_201 : memref<25600xi32, #tpu.memory_space<hbm>>) target(%arg6 : memref<25600xi32, #tpu.memory_space<vmem>>) target_semaphore(%run_scoped3A : memref<!tpu.dma_semaphore, #tpu.memory_space<semaphore_mem>>)
      %dma_wait3A_202 = tpu.memref_slice %arg2[%mul3A_2] : memref<819200xi32, #tpu.memory_space<hbm>> -> memref<25600xi32, #tpu.memory_space<hbm>>
      %dma_wait3A_203 = tpu.memref_slice %arg2[%mul3A_2] : memref<819200xi32, #tpu.memory_space<hbm>> -> memref<25600xi32, #tpu.memory_space<hbm>>
      tpu.wait_dma2 semaphore(%run_scoped3A : memref<!tpu.dma_semaphore, #tpu.memory_space<semaphore_mem>>) src(%dma_wait3A_203 : memref<25600xi32, #tpu.memory_space<hbm>>) dst(%arg6 : memref<25600xi32, #tpu.memory_space<vmem>>)
      tpu.yield
    }) : () -> ()
    "tpu.region"() ({
      %run_scoped3A = tpu.sem_alloc : memref<!tpu.dma_semaphore, #tpu.memory_space<semaphore_mem>>
      tpu.enqueue_dma source(%arg4 : memref<200x64xf32, #tpu.memory_space<hbm>>) target(%arg7 : memref<200x64xf32, #tpu.memory_space<vmem>>) target_semaphore(%run_scoped3A : memref<!tpu.dma_semaphore, #tpu.memory_space<semaphore_mem>>)
      tpu.wait_dma2 semaphore(%run_scoped3A : memref<!tpu.dma_semaphore, #tpu.memory_space<semaphore_mem>>) src(%arg4 : memref<200x64xf32, #tpu.memory_space<hbm>>) dst(%arg7 : memref<200x64xf32, #tpu.memory_space<vmem>>)
      tpu.yield
    }) : () -> ()
    %dma_start3A = arith.constant 0 : i32
    %dma_start3A_5 = arith.constant 0 : i32
    %dma_start3A_6 = arith.constant 0 : i32
    %dma_start3A_7 = arith.constant 0 : i32
    %dma_start3A_8 = tpu.memref_slice %arg8[%dma_start3A, %dma_start3A_6, %dma_start3A_7] : memref<4x200x64xf32, #tpu.memory_space<vmem>> -> memref<1x128x64xf32, #tpu.memory_space<vmem>>
    %dma_start3A_9 = tpu.memref_squeeze %dma_start3A_8 : memref<1x128x64xf32, #tpu.memory_space<vmem>> -> memref<128x64xf32, #tpu.memory_space<vmem>>
    %dma_start3A_10 = arith.constant 0 : i32
    %dma_start3A_11 = tpu.memref_slice %arg6[%dma_start3A_10] : memref<25600xi32, #tpu.memory_space<vmem>> -> memref<128xi32, #tpu.memory_space<vmem>>
    %dma_start3A_12 = arith.constant 0 : i32
    %dma_start3A_13 = arith.constant 0 : i32
    %dma_start3A_14 = tpu.memref_slice %arg3[%dma_start3A_12, %dma_start3A_13] : memref<2000000x64xf32, #tpu.memory_space<hbm>> -> memref<2000000x64xf32, #tpu.memory_space<hbm>>
    %dma_start3A_15 = tpu.memref_slice %arg9[%dma_start3A_5] : memref<4x!tpu.dma_semaphore, #tpu.memory_space<semaphore_mem>> -> memref<1x!tpu.dma_semaphore, #tpu.memory_space<semaphore_mem>>
    %dma_start3A_16 = tpu.memref_squeeze %dma_start3A_15 : memref<1x!tpu.dma_semaphore, #tpu.memory_space<semaphore_mem>> -> memref<!tpu.dma_semaphore, #tpu.memory_space<semaphore_mem>>
    tpu.enqueue_indirect_dma source(%dma_start3A_14 : memref<2000000x64xf32, #tpu.memory_space<hbm>>) target(%dma_start3A_9 : memref<128x64xf32, #tpu.memory_space<vmem>>) offsets(%dma_start3A_11 : memref<128xi32, #tpu.memory_space<vmem>>) semaphore(%dma_start3A_16 : memref<!tpu.dma_semaphore, #tpu.memory_space<semaphore_mem>>)
    %dma_start3A_17 = arith.constant 0 : i32
    %dma_start3A_18 = arith.constant 0 : i32
    %dma_start3A_19 = arith.constant 128 : i32
    %dma_start3A_20 = arith.constant 0 : i32
    %dma_start3A_21 = tpu.memref_slice %arg8[%dma_start3A_17, %dma_start3A_19, %dma_start3A_20] : memref<4x200x64xf32, #tpu.memory_space<vmem>> -> memref<1x72x64xf32, #tpu.memory_space<vmem>>
    %dma_start3A_22 = tpu.memref_squeeze %dma_start3A_21 : memref<1x72x64xf32, #tpu.memory_space<vmem>> -> memref<72x64xf32, #tpu.memory_space<vmem>>
    %dma_start3A_23 = arith.constant 128 : i32
    %dma_start3A_24 = tpu.memref_slice %arg6[%dma_start3A_23] : memref<25600xi32, #tpu.memory_space<vmem>> -> memref<72xi32, #tpu.memory_space<vmem>>
    %dma_start3A_25 = arith.constant 0 : i32
    %dma_start3A_26 = arith.constant 0 : i32
    %dma_start3A_27 = tpu.memref_slice %arg3[%dma_start3A_25, %dma_start3A_26] : memref<2000000x64xf32, #tpu.memory_space<hbm>> -> memref<2000000x64xf32, #tpu.memory_space<hbm>>
    %dma_start3A_28 = tpu.memref_slice %arg9[%dma_start3A_18] : memref<4x!tpu.dma_semaphore, #tpu.memory_space<semaphore_mem>> -> memref<1x!tpu.dma_semaphore, #tpu.memory_space<semaphore_mem>>
    %dma_start3A_29 = tpu.memref_squeeze %dma_start3A_28 : memref<1x!tpu.dma_semaphore, #tpu.memory_space<semaphore_mem>> -> memref<!tpu.dma_semaphore, #tpu.memory_space<semaphore_mem>>
    tpu.enqueue_indirect_dma source(%dma_start3A_27 : memref<2000000x64xf32, #tpu.memory_space<hbm>>) target(%dma_start3A_22 : memref<72x64xf32, #tpu.memory_space<vmem>>) offsets(%dma_start3A_24 : memref<72xi32, #tpu.memory_space<vmem>>) semaphore(%dma_start3A_29 : memref<!tpu.dma_semaphore, #tpu.memory_space<semaphore_mem>>)
    %dma_start3A_30 = arith.constant 1 : i32
    %dma_start3A_31 = arith.constant 1 : i32
    %dma_start3A_32 = arith.constant 0 : i32
    %dma_start3A_33 = arith.constant 0 : i32
    %dma_start3A_34 = tpu.memref_slice %arg8[%dma_start3A_30, %dma_start3A_32, %dma_start3A_33] : memref<4x200x64xf32, #tpu.memory_space<vmem>> -> memref<1x128x64xf32, #tpu.memory_space<vmem>>
    %dma_start3A_35 = tpu.memref_squeeze %dma_start3A_34 : memref<1x128x64xf32, #tpu.memory_space<vmem>> -> memref<128x64xf32, #tpu.memory_space<vmem>>
    %dma_start3A_36 = arith.constant 200 : i32
    %dma_start3A_37 = tpu.memref_slice %arg6[%dma_start3A_36] : memref<25600xi32, #tpu.memory_space<vmem>> -> memref<128xi32, #tpu.memory_space<vmem>>
    %dma_start3A_38 = arith.constant 0 : i32
    %dma_start3A_39 = arith.constant 0 : i32
    %dma_start3A_40 = tpu.memref_slice %arg3[%dma_start3A_38, %dma_start3A_39] : memref<2000000x64xf32, #tpu.memory_space<hbm>> -> memref<2000000x64xf32, #tpu.memory_space<hbm>>
    %dma_start3A_41 = tpu.memref_slice %arg9[%dma_start3A_31] : memref<4x!tpu.dma_semaphore, #tpu.memory_space<semaphore_mem>> -> memref<1x!tpu.dma_semaphore, #tpu.memory_space<semaphore_mem>>
    %dma_start3A_42 = tpu.memref_squeeze %dma_start3A_41 : memref<1x!tpu.dma_semaphore, #tpu.memory_space<semaphore_mem>> -> memref<!tpu.dma_semaphore, #tpu.memory_space<semaphore_mem>>
    tpu.enqueue_indirect_dma source(%dma_start3A_40 : memref<2000000x64xf32, #tpu.memory_space<hbm>>) target(%dma_start3A_35 : memref<128x64xf32, #tpu.memory_space<vmem>>) offsets(%dma_start3A_37 : memref<128xi32, #tpu.memory_space<vmem>>) semaphore(%dma_start3A_42 : memref<!tpu.dma_semaphore, #tpu.memory_space<semaphore_mem>>)
    %dma_start3A_43 = arith.constant 1 : i32
    %dma_start3A_44 = arith.constant 1 : i32
    %dma_start3A_45 = arith.constant 128 : i32
    %dma_start3A_46 = arith.constant 0 : i32
    %dma_start3A_47 = tpu.memref_slice %arg8[%dma_start3A_43, %dma_start3A_45, %dma_start3A_46] : memref<4x200x64xf32, #tpu.memory_space<vmem>> -> memref<1x72x64xf32, #tpu.memory_space<vmem>>
    %dma_start3A_48 = tpu.memref_squeeze %dma_start3A_47 : memref<1x72x64xf32, #tpu.memory_space<vmem>> -> memref<72x64xf32, #tpu.memory_space<vmem>>
    %dma_start3A_49 = arith.constant 328 : i32
    %dma_start3A_50 = tpu.memref_slice %arg6[%dma_start3A_49] : memref<25600xi32, #tpu.memory_space<vmem>> -> memref<72xi32, #tpu.memory_space<vmem>>
    %dma_start3A_51 = arith.constant 0 : i32
    %dma_start3A_52 = arith.constant 0 : i32
    %dma_start3A_53 = tpu.memref_slice %arg3[%dma_start3A_51, %dma_start3A_52] : memref<2000000x64xf32, #tpu.memory_space<hbm>> -> memref<2000000x64xf32, #tpu.memory_space<hbm>>
    %dma_start3A_54 = tpu.memref_slice %arg9[%dma_start3A_44] : memref<4x!tpu.dma_semaphore, #tpu.memory_space<semaphore_mem>> -> memref<1x!tpu.dma_semaphore, #tpu.memory_space<semaphore_mem>>
    %dma_start3A_55 = tpu.memref_squeeze %dma_start3A_54 : memref<1x!tpu.dma_semaphore, #tpu.memory_space<semaphore_mem>> -> memref<!tpu.dma_semaphore, #tpu.memory_space<semaphore_mem>>
    tpu.enqueue_indirect_dma source(%dma_start3A_53 : memref<2000000x64xf32, #tpu.memory_space<hbm>>) target(%dma_start3A_48 : memref<72x64xf32, #tpu.memory_space<vmem>>) offsets(%dma_start3A_50 : memref<72xi32, #tpu.memory_space<vmem>>) semaphore(%dma_start3A_55 : memref<!tpu.dma_semaphore, #tpu.memory_space<semaphore_mem>>)
    %dma_start3A_56 = arith.constant 2 : i32
    %dma_start3A_57 = arith.constant 2 : i32
    %dma_start3A_58 = arith.constant 0 : i32
    %dma_start3A_59 = arith.constant 0 : i32
    %dma_start3A_60 = tpu.memref_slice %arg8[%dma_start3A_56, %dma_start3A_58, %dma_start3A_59] : memref<4x200x64xf32, #tpu.memory_space<vmem>> -> memref<1x128x64xf32, #tpu.memory_space<vmem>>
    %dma_start3A_61 = tpu.memref_squeeze %dma_start3A_60 : memref<1x128x64xf32, #tpu.memory_space<vmem>> -> memref<128x64xf32, #tpu.memory_space<vmem>>
    %dma_start3A_62 = arith.constant 400 : i32
    %dma_start3A_63 = tpu.memref_slice %arg6[%dma_start3A_62] : memref<25600xi32, #tpu.memory_space<vmem>> -> memref<128xi32, #tpu.memory_space<vmem>>
    %dma_start3A_64 = arith.constant 0 : i32
    %dma_start3A_65 = arith.constant 0 : i32
    %dma_start3A_66 = tpu.memref_slice %arg3[%dma_start3A_64, %dma_start3A_65] : memref<2000000x64xf32, #tpu.memory_space<hbm>> -> memref<2000000x64xf32, #tpu.memory_space<hbm>>
    %dma_start3A_67 = tpu.memref_slice %arg9[%dma_start3A_57] : memref<4x!tpu.dma_semaphore, #tpu.memory_space<semaphore_mem>> -> memref<1x!tpu.dma_semaphore, #tpu.memory_space<semaphore_mem>>
    %dma_start3A_68 = tpu.memref_squeeze %dma_start3A_67 : memref<1x!tpu.dma_semaphore, #tpu.memory_space<semaphore_mem>> -> memref<!tpu.dma_semaphore, #tpu.memory_space<semaphore_mem>>
    tpu.enqueue_indirect_dma source(%dma_start3A_66 : memref<2000000x64xf32, #tpu.memory_space<hbm>>) target(%dma_start3A_61 : memref<128x64xf32, #tpu.memory_space<vmem>>) offsets(%dma_start3A_63 : memref<128xi32, #tpu.memory_space<vmem>>) semaphore(%dma_start3A_68 : memref<!tpu.dma_semaphore, #tpu.memory_space<semaphore_mem>>)
    %dma_start3A_69 = arith.constant 2 : i32
    %dma_start3A_70 = arith.constant 2 : i32
    %dma_start3A_71 = arith.constant 128 : i32
    %dma_start3A_72 = arith.constant 0 : i32
    %dma_start3A_73 = tpu.memref_slice %arg8[%dma_start3A_69, %dma_start3A_71, %dma_start3A_72] : memref<4x200x64xf32, #tpu.memory_space<vmem>> -> memref<1x72x64xf32, #tpu.memory_space<vmem>>
    %dma_start3A_74 = tpu.memref_squeeze %dma_start3A_73 : memref<1x72x64xf32, #tpu.memory_space<vmem>> -> memref<72x64xf32, #tpu.memory_space<vmem>>
    %dma_start3A_75 = arith.constant 528 : i32
    %dma_start3A_76 = tpu.memref_slice %arg6[%dma_start3A_75] : memref<25600xi32, #tpu.memory_space<vmem>> -> memref<72xi32, #tpu.memory_space<vmem>>
    %dma_start3A_77 = arith.constant 0 : i32
    %dma_start3A_78 = arith.constant 0 : i32
    %dma_start3A_79 = tpu.memref_slice %arg3[%dma_start3A_77, %dma_start3A_78] : memref<2000000x64xf32, #tpu.memory_space<hbm>> -> memref<2000000x64xf32, #tpu.memory_space<hbm>>
    %dma_start3A_80 = tpu.memref_slice %arg9[%dma_start3A_70] : memref<4x!tpu.dma_semaphore, #tpu.memory_space<semaphore_mem>> -> memref<1x!tpu.dma_semaphore, #tpu.memory_space<semaphore_mem>>
    %dma_start3A_81 = tpu.memref_squeeze %dma_start3A_80 : memref<1x!tpu.dma_semaphore, #tpu.memory_space<semaphore_mem>> -> memref<!tpu.dma_semaphore, #tpu.memory_space<semaphore_mem>>
    tpu.enqueue_indirect_dma source(%dma_start3A_79 : memref<2000000x64xf32, #tpu.memory_space<hbm>>) target(%dma_start3A_74 : memref<72x64xf32, #tpu.memory_space<vmem>>) offsets(%dma_start3A_76 : memref<72xi32, #tpu.memory_space<vmem>>) semaphore(%dma_start3A_81 : memref<!tpu.dma_semaphore, #tpu.memory_space<semaphore_mem>>)
    %dma_start3A_82 = arith.constant 3 : i32
    %dma_start3A_83 = arith.constant 3 : i32
    %dma_start3A_84 = arith.constant 0 : i32
    %dma_start3A_85 = arith.constant 0 : i32
    %dma_start3A_86 = tpu.memref_slice %arg8[%dma_start3A_82, %dma_start3A_84, %dma_start3A_85] : memref<4x200x64xf32, #tpu.memory_space<vmem>> -> memref<1x128x64xf32, #tpu.memory_space<vmem>>
    %dma_start3A_87 = tpu.memref_squeeze %dma_start3A_86 : memref<1x128x64xf32, #tpu.memory_space<vmem>> -> memref<128x64xf32, #tpu.memory_space<vmem>>
    %dma_start3A_88 = arith.constant 600 : i32
    %dma_start3A_89 = tpu.memref_slice %arg6[%dma_start3A_88] : memref<25600xi32, #tpu.memory_space<vmem>> -> memref<128xi32, #tpu.memory_space<vmem>>
    %dma_start3A_90 = arith.constant 0 : i32
    %dma_start3A_91 = arith.constant 0 : i32
    %dma_start3A_92 = tpu.memref_slice %arg3[%dma_start3A_90, %dma_start3A_91] : memref<2000000x64xf32, #tpu.memory_space<hbm>> -> memref<2000000x64xf32, #tpu.memory_space<hbm>>
    %dma_start3A_93 = tpu.memref_slice %arg9[%dma_start3A_83] : memref<4x!tpu.dma_semaphore, #tpu.memory_space<semaphore_mem>> -> memref<1x!tpu.dma_semaphore, #tpu.memory_space<semaphore_mem>>
    %dma_start3A_94 = tpu.memref_squeeze %dma_start3A_93 : memref<1x!tpu.dma_semaphore, #tpu.memory_space<semaphore_mem>> -> memref<!tpu.dma_semaphore, #tpu.memory_space<semaphore_mem>>
    tpu.enqueue_indirect_dma source(%dma_start3A_92 : memref<2000000x64xf32, #tpu.memory_space<hbm>>) target(%dma_start3A_87 : memref<128x64xf32, #tpu.memory_space<vmem>>) offsets(%dma_start3A_89 : memref<128xi32, #tpu.memory_space<vmem>>) semaphore(%dma_start3A_94 : memref<!tpu.dma_semaphore, #tpu.memory_space<semaphore_mem>>)
    %dma_start3A_95 = arith.constant 3 : i32
    %dma_start3A_96 = arith.constant 3 : i32
    %dma_start3A_97 = arith.constant 128 : i32
    %dma_start3A_98 = arith.constant 0 : i32
    %dma_start3A_99 = tpu.memref_slice %arg8[%dma_start3A_95, %dma_start3A_97, %dma_start3A_98] : memref<4x200x64xf32, #tpu.memory_space<vmem>> -> memref<1x72x64xf32, #tpu.memory_space<vmem>>
    %dma_start3A_100 = tpu.memref_squeeze %dma_start3A_99 : memref<1x72x64xf32, #tpu.memory_space<vmem>> -> memref<72x64xf32, #tpu.memory_space<vmem>>
    %dma_start3A_101 = arith.constant 728 : i32
    %dma_start3A_102 = tpu.memref_slice %arg6[%dma_start3A_101] : memref<25600xi32, #tpu.memory_space<vmem>> -> memref<72xi32, #tpu.memory_space<vmem>>
    %dma_start3A_103 = arith.constant 0 : i32
    %dma_start3A_104 = arith.constant 0 : i32
    %dma_start3A_105 = tpu.memref_slice %arg3[%dma_start3A_103, %dma_start3A_104] : memref<2000000x64xf32, #tpu.memory_space<hbm>> -> memref<2000000x64xf32, #tpu.memory_space<hbm>>
    %dma_start3A_106 = tpu.memref_slice %arg9[%dma_start3A_96] : memref<4x!tpu.dma_semaphore, #tpu.memory_space<semaphore_mem>> -> memref<1x!tpu.dma_semaphore, #tpu.memory_space<semaphore_mem>>
    %dma_start3A_107 = tpu.memref_squeeze %dma_start3A_106 : memref<1x!tpu.dma_semaphore, #tpu.memory_space<semaphore_mem>> -> memref<!tpu.dma_semaphore, #tpu.memory_space<semaphore_mem>>
    tpu.enqueue_indirect_dma source(%dma_start3A_105 : memref<2000000x64xf32, #tpu.memory_space<hbm>>) target(%dma_start3A_100 : memref<72x64xf32, #tpu.memory_space<vmem>>) offsets(%dma_start3A_102 : memref<72xi32, #tpu.memory_space<vmem>>) semaphore(%dma_start3A_107 : memref<!tpu.dma_semaphore, #tpu.memory_space<semaphore_mem>>)
    %scan3A = arith.constant 0 : i32
    %scan3A_108 = arith.constant 0 : i32
    %scan3A_109 = arith.constant 32 : i32
    %scan3A_110 = arith.addi %scan3A_108, %scan3A_109 : i32
    %scan3A_111 = arith.constant 1 : i32
    scf.for %scan3A_200 = %scan3A_108 to %scan3A_110 step %scan3A_111  : i32 {
      %mul3A_201 = arith.constant 4 : i32
      %mul3A_202 = arith.muli %scan3A_200, %mul3A_201 : i32
      %add3A_203 = arith.constant 0 : i32
      %add3A_204 = arith.addi %mul3A_202, %add3A_203 : i32
      %mul3A_205 = arith.constant 200 : i32
      %mul3A_206 = arith.muli %add3A_204, %mul3A_205 : i32
      %dma_wait3A_207 = arith.constant 0 : i32
      %dma_wait3A_208 = arith.constant 0 : i32
      %dma_wait3A_209 = arith.constant 0 : i32
      %dma_wait3A_210 = arith.constant 0 : i32
      %dma_wait3A_211 = tpu.memref_slice %arg8[%dma_wait3A_207, %dma_wait3A_209, %dma_wait3A_210] : memref<4x200x64xf32, #tpu.memory_space<vmem>> -> memref<1x128x64xf32, #tpu.memory_space<vmem>>
      %dma_wait3A_212 = tpu.memref_squeeze %dma_wait3A_211 : memref<1x128x64xf32, #tpu.memory_space<vmem>> -> memref<128x64xf32, #tpu.memory_space<vmem>>
      %dma_wait3A_213 = tpu.memref_slice %arg6[%mul3A_206] : memref<25600xi32, #tpu.memory_space<vmem>> -> memref<128xi32, #tpu.memory_space<vmem>>
      %dma_wait3A_214 = arith.constant 0 : i32
      %dma_wait3A_215 = arith.constant 0 : i32
      %dma_wait3A_216 = tpu.memref_slice %arg3[%dma_wait3A_214, %dma_wait3A_215] : memref<2000000x64xf32, #tpu.memory_space<hbm>> -> memref<2000000x64xf32, #tpu.memory_space<hbm>>
      %dma_wait3A_217 = tpu.memref_slice %arg9[%dma_wait3A_208] : memref<4x!tpu.dma_semaphore, #tpu.memory_space<semaphore_mem>> -> memref<1x!tpu.dma_semaphore, #tpu.memory_space<semaphore_mem>>
      %dma_wait3A_218 = tpu.memref_squeeze %dma_wait3A_217 : memref<1x!tpu.dma_semaphore, #tpu.memory_space<semaphore_mem>> -> memref<!tpu.dma_semaphore, #tpu.memory_space<semaphore_mem>>
      tpu.wait_indirect_dma semaphore(%dma_wait3A_218 : memref<!tpu.dma_semaphore, #tpu.memory_space<semaphore_mem>>) src(%dma_wait3A_216 : memref<2000000x64xf32, #tpu.memory_space<hbm>>) dst(%dma_wait3A_212 : memref<128x64xf32, #tpu.memory_space<vmem>>)
      %mul3A_219 = arith.constant 200 : i32
      %mul3A_220 = arith.muli %add3A_204, %mul3A_219 : i32
      %add3A_221 = arith.constant 128 : i32
      %add3A_222 = arith.addi %mul3A_220, %add3A_221 : i32
      %dma_wait3A_223 = arith.constant 0 : i32
      %dma_wait3A_224 = arith.constant 0 : i32
      %dma_wait3A_225 = arith.constant 128 : i32
      %dma_wait3A_226 = arith.constant 0 : i32
      %dma_wait3A_227 = tpu.memref_slice %arg8[%dma_wait3A_223, %dma_wait3A_225, %dma_wait3A_226] : memref<4x200x64xf32, #tpu.memory_space<vmem>> -> memref<1x72x64xf32, #tpu.memory_space<vmem>>
      %dma_wait3A_228 = tpu.memref_squeeze %dma_wait3A_227 : memref<1x72x64xf32, #tpu.memory_space<vmem>> -> memref<72x64xf32, #tpu.memory_space<vmem>>
      %dma_wait3A_229 = tpu.memref_slice %arg6[%add3A_222] : memref<25600xi32, #tpu.memory_space<vmem>> -> memref<72xi32, #tpu.memory_space<vmem>>
      %dma_wait3A_230 = arith.constant 0 : i32
      %dma_wait3A_231 = arith.constant 0 : i32
      %dma_wait3A_232 = tpu.memref_slice %arg3[%dma_wait3A_230, %dma_wait3A_231] : memref<2000000x64xf32, #tpu.memory_space<hbm>> -> memref<2000000x64xf32, #tpu.memory_space<hbm>>
      %dma_wait3A_233 = tpu.memref_slice %arg9[%dma_wait3A_224] : memref<4x!tpu.dma_semaphore, #tpu.memory_space<semaphore_mem>> -> memref<1x!tpu.dma_semaphore, #tpu.memory_space<semaphore_mem>>
      %dma_wait3A_234 = tpu.memref_squeeze %dma_wait3A_233 : memref<1x!tpu.dma_semaphore, #tpu.memory_space<semaphore_mem>> -> memref<!tpu.dma_semaphore, #tpu.memory_space<semaphore_mem>>
      tpu.wait_indirect_dma semaphore(%dma_wait3A_234 : memref<!tpu.dma_semaphore, #tpu.memory_space<semaphore_mem>>) src(%dma_wait3A_232 : memref<2000000x64xf32, #tpu.memory_space<hbm>>) dst(%dma_wait3A_228 : memref<72x64xf32, #tpu.memory_space<vmem>>)
      %parallel_loop3A = arith.constant 0 : i32
      %parallel_loop3A_235 = arith.constant 200 : i32
      %parallel_loop3A_236 = arith.constant 1 : i32
      scf.for %parallel_loop3A_468 = %parallel_loop3A to %parallel_loop3A_235 step %parallel_loop3A_236  : i32 {
        %parallel_loop3A_469 = arith.index_cast %parallel_loop3A_468 : i32 to index
        %parallel_loop3A_470 = arith.constant 0 : index
        %parallel_loop3A_471 = tpu.vector_load %arg7[%parallel_loop3A_469, %parallel_loop3A_470] {strides = array<i32>} : memref<200x64xf32, #tpu.memory_space<vmem>>, vector<1x16xf32>,
        %parallel_loop3A_472 = vector.shape_cast %parallel_loop3A_471 : vector<1x16xf32> to vector<16xf32>
        %parallel_loop3A_473 = arith.constant 0 : i32
        %parallel_loop3A_474 = arith.index_cast %parallel_loop3A_473 : i32 to index
        %parallel_loop3A_475 = arith.index_cast %parallel_loop3A_468 : i32 to index
        %parallel_loop3A_476 = arith.constant 0 : index
        %parallel_loop3A_477 = tpu.vector_load %arg8[%parallel_loop3A_474, %parallel_loop3A_475, %parallel_loop3A_476] {strides = array<i32>} : memref<4x200x64xf32, #tpu.memory_space<vmem>>, vector<1x1x16xf32>,
        %parallel_loop3A_478 = vector.shape_cast %parallel_loop3A_477 : vector<1x1x16xf32> to vector<16xf32>
        %parallel_loop3A_479 = vector.shape_cast %parallel_loop3A_472 : vector<16xf32> to vector<1x1x16xf32>
        tpu.vector_store %arg8[%parallel_loop3A_474, %parallel_loop3A_475, %parallel_loop3A_476], %parallel_loop3A_479 {add = true, strides = array<i32>} : memref<4x200x64xf32, #tpu.memory_space<vmem>>, vector<1x1x16xf32>,
        %parallel_loop3A_480 = arith.index_cast %parallel_loop3A_468 : i32 to index
        %parallel_loop3A_481 = arith.constant 16 : index
        %parallel_loop3A_482 = tpu.vector_load %arg7[%parallel_loop3A_480, %parallel_loop3A_481] {strides = array<i32>} : memref<200x64xf32, #tpu.memory_space<vmem>>, vector<1x16xf32>,
        %parallel_loop3A_483 = vector.shape_cast %parallel_loop3A_482 : vector<1x16xf32> to vector<16xf32>
        %parallel_loop3A_484 = arith.constant 0 : i32
        %parallel_loop3A_485 = arith.index_cast %parallel_loop3A_484 : i32 to index
        %parallel_loop3A_486 = arith.index_cast %parallel_loop3A_468 : i32 to index
        %parallel_loop3A_487 = arith.constant 16 : index
        %parallel_loop3A_488 = tpu.vector_load %arg8[%parallel_loop3A_485, %parallel_loop3A_486, %parallel_loop3A_487] {strides = array<i32>} : memref<4x200x64xf32, #tpu.memory_space<vmem>>, vector<1x1x16xf32>,
        %parallel_loop3A_489 = vector.shape_cast %parallel_loop3A_488 : vector<1x1x16xf32> to vector<16xf32>
        %parallel_loop3A_490 = vector.shape_cast %parallel_loop3A_483 : vector<16xf32> to vector<1x1x16xf32>
        tpu.vector_store %arg8[%parallel_loop3A_485, %parallel_loop3A_486, %parallel_loop3A_487], %parallel_loop3A_490 {add = true, strides = array<i32>} : memref<4x200x64xf32, #tpu.memory_space<vmem>>, vector<1x1x16xf32>,
        %parallel_loop3A_491 = arith.index_cast %parallel_loop3A_468 : i32 to index
        %parallel_loop3A_492 = arith.constant 32 : index
        %parallel_loop3A_493 = tpu.vector_load %arg7[%parallel_loop3A_491, %parallel_loop3A_492] {strides = array<i32>} : memref<200x64xf32, #tpu.memory_space<vmem>>, vector<1x16xf32>,
        %parallel_loop3A_494 = vector.shape_cast %parallel_loop3A_493 : vector<1x16xf32> to vector<16xf32>
        %parallel_loop3A_495 = arith.constant 0 : i32
        %parallel_loop3A_496 = arith.index_cast %parallel_loop3A_495 : i32 to index
        %parallel_loop3A_497 = arith.index_cast %parallel_loop3A_468 : i32 to index
        %parallel_loop3A_498 = arith.constant 32 : index
        %parallel_loop3A_499 = tpu.vector_load %arg8[%parallel_loop3A_496, %parallel_loop3A_497, %parallel_loop3A_498] {strides = array<i32>} : memref<4x200x64xf32, #tpu.memory_space<vmem>>, vector<1x1x16xf32>,
        %parallel_loop3A_500 = vector.shape_cast %parallel_loop3A_499 : vector<1x1x16xf32> to vector<16xf32>
        %parallel_loop3A_501 = vector.shape_cast %parallel_loop3A_494 : vector<16xf32> to vector<1x1x16xf32>
        tpu.vector_store %arg8[%parallel_loop3A_496, %parallel_loop3A_497, %parallel_loop3A_498], %parallel_loop3A_501 {add = true, strides = array<i32>} : memref<4x200x64xf32, #tpu.memory_space<vmem>>, vector<1x1x16xf32>,
        %parallel_loop3A_502 = arith.index_cast %parallel_loop3A_468 : i32 to index
        %parallel_loop3A_503 = arith.constant 48 : index
        %parallel_loop3A_504 = tpu.vector_load %arg7[%parallel_loop3A_502, %parallel_loop3A_503] {strides = array<i32>} : memref<200x64xf32, #tpu.memory_space<vmem>>, vector<1x16xf32>,
        %parallel_loop3A_505 = vector.shape_cast %parallel_loop3A_504 : vector<1x16xf32> to vector<16xf32>
        %parallel_loop3A_506 = arith.constant 0 : i32
        %parallel_loop3A_507 = arith.index_cast %parallel_loop3A_506 : i32 to index
        %parallel_loop3A_508 = arith.index_cast %parallel_loop3A_468 : i32 to index
        %parallel_loop3A_509 = arith.constant 48 : index
        %parallel_loop3A_510 = tpu.vector_load %arg8[%parallel_loop3A_507, %parallel_loop3A_508, %parallel_loop3A_509] {strides = array<i32>} : memref<4x200x64xf32, #tpu.memory_space<vmem>>, vector<1x1x16xf32>,
        %parallel_loop3A_511 = vector.shape_cast %parallel_loop3A_510 : vector<1x1x16xf32> to vector<16xf32>
        %parallel_loop3A_512 = vector.shape_cast %parallel_loop3A_505 : vector<16xf32> to vector<1x1x16xf32>
        tpu.vector_store %arg8[%parallel_loop3A_507, %parallel_loop3A_508, %parallel_loop3A_509], %parallel_loop3A_512 {add = true, strides = array<i32>} : memref<4x200x64xf32, #tpu.memory_space<vmem>>, vector<1x1x16xf32>,
      } {sc.loop_unroll_factor = 4 : i64, sc.parallel_access}
      %add3A_237 = arith.addi %mul3A_4, %add3A_204 : i32
      %dma_start3A_238 = arith.constant 0 : i32
      %dma_start3A_239 = arith.constant 0 : i32
      %dma_start3A_240 = arith.constant 0 : i32
      %dma_start3A_241 = arith.constant 0 : i32
      %dma_start3A_242 = tpu.memref_slice %arg8[%dma_start3A_238, %dma_start3A_240, %dma_start3A_241] : memref<4x200x64xf32, #tpu.memory_space<vmem>> -> memref<1x200x64xf32, #tpu.memory_space<vmem>>
      %dma_start3A_243 = tpu.memref_squeeze %dma_start3A_242 : memref<1x200x64xf32, #tpu.memory_space<vmem>> -> memref<200x64xf32, #tpu.memory_space<vmem>>
      %dma_start3A_244 = arith.constant 0 : i32
      %dma_start3A_245 = arith.constant 0 : i32
      %dma_start3A_246 = tpu.memref_slice %arg5[%add3A_237, %dma_start3A_244, %dma_start3A_245] : memref<4096x200x128xf32, #tpu.memory_space<hbm>> -> memref<1x200x64xf32, #tpu.memory_space<hbm>>
      %dma_start3A_247 = tpu.memref_squeeze %dma_start3A_246 : memref<1x200x64xf32, #tpu.memory_space<hbm>> -> memref<200x64xf32, #tpu.memory_space<hbm>>
      %dma_start3A_248 = tpu.memref_slice %arg10[%dma_start3A_239] : memref<4x!tpu.dma_semaphore, #tpu.memory_space<semaphore_mem>> -> memref<1x!tpu.dma_semaphore, #tpu.memory_space<semaphore_mem>>
      %dma_start3A_249 = tpu.memref_squeeze %dma_start3A_248 : memref<1x!tpu.dma_semaphore, #tpu.memory_space<semaphore_mem>> -> memref<!tpu.dma_semaphore, #tpu.memory_space<semaphore_mem>>
      %dma_start3A_250 = arith.constant 0 : i32
      %dma_start3A_251 = arith.constant 0 : i32
      %dma_start3A_252 = tpu.memref_slice %arg5[%add3A_237, %dma_start3A_250, %dma_start3A_251] : memref<4096x200x128xf32, #tpu.memory_space<hbm>> -> memref<1x200x64xf32, #tpu.memory_space<hbm>>
      %dma_start3A_253 = tpu.memref_squeeze %dma_start3A_252 : memref<1x200x64xf32, #tpu.memory_space<hbm>> -> memref<200x64xf32, #tpu.memory_space<hbm>>
      %dma_start3A_254 = arith.constant 0 : i32
      %dma_start3A_255 = arith.constant 0 : i32
      %dma_start3A_256 = tpu.memref_slice %arg8[%dma_start3A_238, %dma_start3A_254, %dma_start3A_255] : memref<4x200x64xf32, #tpu.memory_space<vmem>> -> memref<1x200x64xf32, #tpu.memory_space<vmem>>
      %dma_start3A_257 = tpu.memref_squeeze %dma_start3A_256 : memref<1x200x64xf32, #tpu.memory_space<vmem>> -> memref<200x64xf32, #tpu.memory_space<vmem>>
      tpu.enqueue_dma source(%dma_start3A_257 : memref<200x64xf32, #tpu.memory_space<vmem>>) target(%dma_start3A_253 : memref<200x64xf32, #tpu.memory_space<hbm>>) target_semaphore(%dma_start3A_249 : memref<!tpu.dma_semaphore, #tpu.memory_space<semaphore_mem>>)
      %sub3A = arith.constant 1 : i32
      %sub3A_258 = arith.subi %add3A_204, %sub3A : i32
      %add3A_259 = arith.constant 4 : i32
      %add3A_260 = arith.addi %sub3A_258, %add3A_259 : i32
      %ge3A = arith.constant 0 : i32
      %ge3A_261 = arith.cmpi sge, %sub3A_258, %ge3A : i32
      %lt3A = arith.constant 128 : i32
      %lt3A_262 = arith.cmpi slt, %add3A_260, %lt3A : i32
      %and3A = arith.andi %ge3A_261, %lt3A_262 : i1
      %convert_element_type3A = arith.extui %and3A : i1 to i32
      %cond3A = arith.constant 0 : i32
      %cond3A_263 = arith.cmpi ne, %convert_element_type3A, %cond3A : i32
      scf.if %cond3A_263 {
        %add3A_468 = arith.addi %mul3A_4, %sub3A_258 : i32
        %dma_wait3A_469 = arith.constant 3 : i32
        %dma_wait3A_470 = arith.constant 3 : i32
        %dma_wait3A_471 = arith.constant 0 : i32
        %dma_wait3A_472 = arith.constant 0 : i32
        %dma_wait3A_473 = tpu.memref_slice %arg8[%dma_wait3A_469, %dma_wait3A_471, %dma_wait3A_472] : memref<4x200x64xf32, #tpu.memory_space<vmem>> -> memref<1x200x64xf32, #tpu.memory_space<vmem>>
        %dma_wait3A_474 = tpu.memref_squeeze %dma_wait3A_473 : memref<1x200x64xf32, #tpu.memory_space<vmem>> -> memref<200x64xf32, #tpu.memory_space<vmem>>
        %dma_wait3A_475 = arith.constant 0 : i32
        %dma_wait3A_476 = arith.constant 0 : i32
        %dma_wait3A_477 = tpu.memref_slice %arg5[%add3A_468, %dma_wait3A_475, %dma_wait3A_476] : memref<4096x200x128xf32, #tpu.memory_space<hbm>> -> memref<1x200x64xf32, #tpu.memory_space<hbm>>
        %dma_wait3A_478 = tpu.memref_squeeze %dma_wait3A_477 : memref<1x200x64xf32, #tpu.memory_space<hbm>> -> memref<200x64xf32, #tpu.memory_space<hbm>>
        %dma_wait3A_479 = tpu.memref_slice %arg10[%dma_wait3A_470] : memref<4x!tpu.dma_semaphore, #tpu.memory_space<semaphore_mem>> -> memref<1x!tpu.dma_semaphore, #tpu.memory_space<semaphore_mem>>
        %dma_wait3A_480 = tpu.memref_squeeze %dma_wait3A_479 : memref<1x!tpu.dma_semaphore, #tpu.memory_space<semaphore_mem>> -> memref<!tpu.dma_semaphore, #tpu.memory_space<semaphore_mem>>
        %dma_wait3A_481 = arith.constant 0 : i32
        %dma_wait3A_482 = arith.constant 0 : i32
        %dma_wait3A_483 = tpu.memref_slice %arg5[%add3A_468, %dma_wait3A_481, %dma_wait3A_482] : memref<4096x200x128xf32, #tpu.memory_space<hbm>> -> memref<1x200x64xf32, #tpu.memory_space<hbm>>
        %dma_wait3A_484 = tpu.memref_squeeze %dma_wait3A_483 : memref<1x200x64xf32, #tpu.memory_space<hbm>> -> memref<200x64xf32, #tpu.memory_space<hbm>>
        %dma_wait3A_485 = arith.constant 0 : i32
        %dma_wait3A_486 = arith.constant 0 : i32
        %dma_wait3A_487 = tpu.memref_slice %arg8[%dma_wait3A_469, %dma_wait3A_485, %dma_wait3A_486] : memref<4x200x64xf32, #tpu.memory_space<vmem>> -> memref<1x200x64xf32, #tpu.memory_space<vmem>>
        %dma_wait3A_488 = tpu.memref_squeeze %dma_wait3A_487 : memref<1x200x64xf32, #tpu.memory_space<vmem>> -> memref<200x64xf32, #tpu.memory_space<vmem>>
        tpu.wait_dma2 semaphore(%dma_wait3A_480 : memref<!tpu.dma_semaphore, #tpu.memory_space<semaphore_mem>>) src(%dma_wait3A_488 : memref<200x64xf32, #tpu.memory_space<vmem>>) dst(%dma_wait3A_484 : memref<200x64xf32, #tpu.memory_space<hbm>>)
        %mul3A_489 = arith.constant 200 : i32
        %mul3A_490 = arith.muli %add3A_260, %mul3A_489 : i32
        %dma_start3A_491 = arith.constant 3 : i32
        %dma_start3A_492 = arith.constant 3 : i32
        %dma_start3A_493 = arith.constant 0 : i32
        %dma_start3A_494 = arith.constant 0 : i32
        %dma_start3A_495 = tpu.memref_slice %arg8[%dma_start3A_491, %dma_start3A_493, %dma_start3A_494] : memref<4x200x64xf32, #tpu.memory_space<vmem>> -> memref<1x128x64xf32, #tpu.memory_space<vmem>>
        %dma_start3A_496 = tpu.memref_squeeze %dma_start3A_495 : memref<1x128x64xf32, #tpu.memory_space<vmem>> -> memref<128x64xf32, #tpu.memory_space<vmem>>
        %dma_start3A_497 = tpu.memref_slice %arg6[%mul3A_490] : memref<25600xi32, #tpu.memory_space<vmem>> -> memref<128xi32, #tpu.memory_space<vmem>>
        %dma_start3A_498 = arith.constant 0 : i32
        %dma_start3A_499 = arith.constant 0 : i32
        %dma_start3A_500 = tpu.memref_slice %arg3[%dma_start3A_498, %dma_start3A_499] : memref<2000000x64xf32, #tpu.memory_space<hbm>> -> memref<2000000x64xf32, #tpu.memory_space<hbm>>
        %dma_start3A_501 = tpu.memref_slice %arg9[%dma_start3A_492] : memref<4x!tpu.dma_semaphore, #tpu.memory_space<semaphore_mem>> -> memref<1x!tpu.dma_semaphore, #tpu.memory_space<semaphore_mem>>
        %dma_start3A_502 = tpu.memref_squeeze %dma_start3A_501 : memref<1x!tpu.dma_semaphore, #tpu.memory_space<semaphore_mem>> -> memref<!tpu.dma_semaphore, #tpu.memory_space<semaphore_mem>>
        tpu.enqueue_indirect_dma source(%dma_start3A_500 : memref<2000000x64xf32, #tpu.memory_space<hbm>>) target(%dma_start3A_496 : memref<128x64xf32, #tpu.memory_space<vmem>>) offsets(%dma_start3A_497 : memref<128xi32, #tpu.memory_space<vmem>>) semaphore(%dma_start3A_502 : memref<!tpu.dma_semaphore, #tpu.memory_space<semaphore_mem>>)
        %mul3A_503 = arith.constant 200 : i32
        %mul3A_504 = arith.muli %add3A_260, %mul3A_503 : i32
        %add3A_505 = arith.constant 128 : i32
        %add3A_506 = arith.addi %mul3A_504, %add3A_505 : i32
        %dma_start3A_507 = arith.constant 3 : i32
        %dma_start3A_508 = arith.constant 3 : i32
        %dma_start3A_509 = arith.constant 128 : i32
        %dma_start3A_510 = arith.constant 0 : i32
        %dma_start3A_511 = tpu.memref_slice %arg8[%dma_start3A_507, %dma_start3A_509, %dma_start3A_510] : memref<4x200x64xf32, #tpu.memory_space<vmem>> -> memref<1x72x64xf32, #tpu.memory_space<vmem>>
        %dma_start3A_512 = tpu.memref_squeeze %dma_start3A_511 : memref<1x72x64xf32, #tpu.memory_space<vmem>> -> memref<72x64xf32, #tpu.memory_space<vmem>>
        %dma_start3A_513 = tpu.memref_slice %arg6[%add3A_506] : memref<25600xi32, #tpu.memory_space<vmem>> -> memref<72xi32, #tpu.memory_space<vmem>>
        %dma_start3A_514 = arith.constant 0 : i32
        %dma_start3A_515 = arith.constant 0 : i32
        %dma_start3A_516 = tpu.memref_slice %arg3[%dma_start3A_514, %dma_start3A_515] : memref<2000000x64xf32, #tpu.memory_space<hbm>> -> memref<2000000x64xf32, #tpu.memory_space<hbm>>
        %dma_start3A_517 = tpu.memref_slice %arg9[%dma_start3A_508] : memref<4x!tpu.dma_semaphore, #tpu.memory_space<semaphore_mem>> -> memref<1x!tpu.dma_semaphore, #tpu.memory_space<semaphore_mem>>
        %dma_start3A_518 = tpu.memref_squeeze %dma_start3A_517 : memref<1x!tpu.dma_semaphore, #tpu.memory_space<semaphore_mem>> -> memref<!tpu.dma_semaphore, #tpu.memory_space<semaphore_mem>>
        tpu.enqueue_indirect_dma source(%dma_start3A_516 : memref<2000000x64xf32, #tpu.memory_space<hbm>>) target(%dma_start3A_512 : memref<72x64xf32, #tpu.memory_space<vmem>>) offsets(%dma_start3A_513 : memref<72xi32, #tpu.memory_space<vmem>>) semaphore(%dma_start3A_518 : memref<!tpu.dma_semaphore, #tpu.memory_space<semaphore_mem>>)
      } else {
      }
      %add3A_264 = arith.constant 1 : i32
      %add3A_265 = arith.addi %mul3A_202, %add3A_264 : i32
      %mul3A_266 = arith.constant 200 : i32
      %mul3A_267 = arith.muli %add3A_265, %mul3A_266 : i32
      %dma_wait3A_268 = arith.constant 1 : i32
      %dma_wait3A_269 = arith.constant 1 : i32
      %dma_wait3A_270 = arith.constant 0 : i32
      %dma_wait3A_271 = arith.constant 0 : i32
      %dma_wait3A_272 = tpu.memref_slice %arg8[%dma_wait3A_268, %dma_wait3A_270, %dma_wait3A_271] : memref<4x200x64xf32, #tpu.memory_space<vmem>> -> memref<1x128x64xf32, #tpu.memory_space<vmem>>
      %dma_wait3A_273 = tpu.memref_squeeze %dma_wait3A_272 : memref<1x128x64xf32, #tpu.memory_space<vmem>> -> memref<128x64xf32, #tpu.memory_space<vmem>>
      %dma_wait3A_274 = tpu.memref_slice %arg6[%mul3A_267] : memref<25600xi32, #tpu.memory_space<vmem>> -> memref<128xi32, #tpu.memory_space<vmem>>
      %dma_wait3A_275 = arith.constant 0 : i32
      %dma_wait3A_276 = arith.constant 0 : i32
      %dma_wait3A_277 = tpu.memref_slice %arg3[%dma_wait3A_275, %dma_wait3A_276] : memref<2000000x64xf32, #tpu.memory_space<hbm>> -> memref<2000000x64xf32, #tpu.memory_space<hbm>>
      %dma_wait3A_278 = tpu.memref_slice %arg9[%dma_wait3A_269] : memref<4x!tpu.dma_semaphore, #tpu.memory_space<semaphore_mem>> -> memref<1x!tpu.dma_semaphore, #tpu.memory_space<semaphore_mem>>
      %dma_wait3A_279 = tpu.memref_squeeze %dma_wait3A_278 : memref<1x!tpu.dma_semaphore, #tpu.memory_space<semaphore_mem>> -> memref<!tpu.dma_semaphore, #tpu.memory_space<semaphore_mem>>
      tpu.wait_indirect_dma semaphore(%dma_wait3A_279 : memref<!tpu.dma_semaphore, #tpu.memory_space<semaphore_mem>>) src(%dma_wait3A_277 : memref<2000000x64xf32, #tpu.memory_space<hbm>>) dst(%dma_wait3A_273 : memref<128x64xf32, #tpu.memory_space<vmem>>)
      %mul3A_280 = arith.constant 200 : i32
      %mul3A_281 = arith.muli %add3A_265, %mul3A_280 : i32
      %add3A_282 = arith.constant 128 : i32
      %add3A_283 = arith.addi %mul3A_281, %add3A_282 : i32
      %dma_wait3A_284 = arith.constant 1 : i32
      %dma_wait3A_285 = arith.constant 1 : i32
      %dma_wait3A_286 = arith.constant 128 : i32
      %dma_wait3A_287 = arith.constant 0 : i32
      %dma_wait3A_288 = tpu.memref_slice %arg8[%dma_wait3A_284, %dma_wait3A_286, %dma_wait3A_287] : memref<4x200x64xf32, #tpu.memory_space<vmem>> -> memref<1x72x64xf32, #tpu.memory_space<vmem>>
      %dma_wait3A_289 = tpu.memref_squeeze %dma_wait3A_288 : memref<1x72x64xf32, #tpu.memory_space<vmem>> -> memref<72x64xf32, #tpu.memory_space<vmem>>
      %dma_wait3A_290 = tpu.memref_slice %arg6[%add3A_283] : memref<25600xi32, #tpu.memory_space<vmem>> -> memref<72xi32, #tpu.memory_space<vmem>>
      %dma_wait3A_291 = arith.constant 0 : i32
      %dma_wait3A_292 = arith.constant 0 : i32
      %dma_wait3A_293 = tpu.memref_slice %arg3[%dma_wait3A_291, %dma_wait3A_292] : memref<2000000x64xf32, #tpu.memory_space<hbm>> -> memref<2000000x64xf32, #tpu.memory_space<hbm>>
      %dma_wait3A_294 = tpu.memref_slice %arg9[%dma_wait3A_285] : memref<4x!tpu.dma_semaphore, #tpu.memory_space<semaphore_mem>> -> memref<1x!tpu.dma_semaphore, #tpu.memory_space<semaphore_mem>>
      %dma_wait3A_295 = tpu.memref_squeeze %dma_wait3A_294 : memref<1x!tpu.dma_semaphore, #tpu.memory_space<semaphore_mem>> -> memref<!tpu.dma_semaphore, #tpu.memory_space<semaphore_mem>>
      tpu.wait_indirect_dma semaphore(%dma_wait3A_295 : memref<!tpu.dma_semaphore, #tpu.memory_space<semaphore_mem>>) src(%dma_wait3A_293 : memref<2000000x64xf32, #tpu.memory_space<hbm>>) dst(%dma_wait3A_289 : memref<72x64xf32, #tpu.memory_space<vmem>>)
      %parallel_loop3A_296 = arith.constant 0 : i32
      %parallel_loop3A_297 = arith.constant 200 : i32
      %parallel_loop3A_298 = arith.constant 1 : i32
      scf.for %parallel_loop3A_468 = %parallel_loop3A_296 to %parallel_loop3A_297 step %parallel_loop3A_298  : i32 {
        %parallel_loop3A_469 = arith.index_cast %parallel_loop3A_468 : i32 to index
        %parallel_loop3A_470 = arith.constant 0 : index
        %parallel_loop3A_471 = tpu.vector_load %arg7[%parallel_loop3A_469, %parallel_loop3A_470] {strides = array<i32>} : memref<200x64xf32, #tpu.memory_space<vmem>>, vector<1x16xf32>,
        %parallel_loop3A_472 = vector.shape_cast %parallel_loop3A_471 : vector<1x16xf32> to vector<16xf32>
        %parallel_loop3A_473 = arith.constant 1 : i32
        %parallel_loop3A_474 = arith.index_cast %parallel_loop3A_473 : i32 to index
        %parallel_loop3A_475 = arith.index_cast %parallel_loop3A_468 : i32 to index
        %parallel_loop3A_476 = arith.constant 0 : index
        %parallel_loop3A_477 = tpu.vector_load %arg8[%parallel_loop3A_474, %parallel_loop3A_475, %parallel_loop3A_476] {strides = array<i32>} : memref<4x200x64xf32, #tpu.memory_space<vmem>>, vector<1x1x16xf32>,
        %parallel_loop3A_478 = vector.shape_cast %parallel_loop3A_477 : vector<1x1x16xf32> to vector<16xf32>
        %parallel_loop3A_479 = vector.shape_cast %parallel_loop3A_472 : vector<16xf32> to vector<1x1x16xf32>
        tpu.vector_store %arg8[%parallel_loop3A_474, %parallel_loop3A_475, %parallel_loop3A_476], %parallel_loop3A_479 {add = true, strides = array<i32>} : memref<4x200x64xf32, #tpu.memory_space<vmem>>, vector<1x1x16xf32>,
        %parallel_loop3A_480 = arith.index_cast %parallel_loop3A_468 : i32 to index
        %parallel_loop3A_481 = arith.constant 16 : index
        %parallel_loop3A_482 = tpu.vector_load %arg7[%parallel_loop3A_480, %parallel_loop3A_481] {strides = array<i32>} : memref<200x64xf32, #tpu.memory_space<vmem>>, vector<1x16xf32>,
        %parallel_loop3A_483 = vector.shape_cast %parallel_loop3A_482 : vector<1x16xf32> to vector<16xf32>
        %parallel_loop3A_484 = arith.constant 1 : i32
        %parallel_loop3A_485 = arith.index_cast %parallel_loop3A_484 : i32 to index
        %parallel_loop3A_486 = arith.index_cast %parallel_loop3A_468 : i32 to index
        %parallel_loop3A_487 = arith.constant 16 : index
        %parallel_loop3A_488 = tpu.vector_load %arg8[%parallel_loop3A_485, %parallel_loop3A_486, %parallel_loop3A_487] {strides = array<i32>} : memref<4x200x64xf32, #tpu.memory_space<vmem>>, vector<1x1x16xf32>,
        %parallel_loop3A_489 = vector.shape_cast %parallel_loop3A_488 : vector<1x1x16xf32> to vector<16xf32>
        %parallel_loop3A_490 = vector.shape_cast %parallel_loop3A_483 : vector<16xf32> to vector<1x1x16xf32>
        tpu.vector_store %arg8[%parallel_loop3A_485, %parallel_loop3A_486, %parallel_loop3A_487], %parallel_loop3A_490 {add = true, strides = array<i32>} : memref<4x200x64xf32, #tpu.memory_space<vmem>>, vector<1x1x16xf32>,
        %parallel_loop3A_491 = arith.index_cast %parallel_loop3A_468 : i32 to index
        %parallel_loop3A_492 = arith.constant 32 : index
        %parallel_loop3A_493 = tpu.vector_load %arg7[%parallel_loop3A_491, %parallel_loop3A_492] {strides = array<i32>} : memref<200x64xf32, #tpu.memory_space<vmem>>, vector<1x16xf32>,
        %parallel_loop3A_494 = vector.shape_cast %parallel_loop3A_493 : vector<1x16xf32> to vector<16xf32>
        %parallel_loop3A_495 = arith.constant 1 : i32
        %parallel_loop3A_496 = arith.index_cast %parallel_loop3A_495 : i32 to index
        %parallel_loop3A_497 = arith.index_cast %parallel_loop3A_468 : i32 to index
        %parallel_loop3A_498 = arith.constant 32 : index
        %parallel_loop3A_499 = tpu.vector_load %arg8[%parallel_loop3A_496, %parallel_loop3A_497, %parallel_loop3A_498] {strides = array<i32>} : memref<4x200x64xf32, #tpu.memory_space<vmem>>, vector<1x1x16xf32>,
        %parallel_loop3A_500 = vector.shape_cast %parallel_loop3A_499 : vector<1x1x16xf32> to vector<16xf32>
        %parallel_loop3A_501 = vector.shape_cast %parallel_loop3A_494 : vector<16xf32> to vector<1x1x16xf32>
        tpu.vector_store %arg8[%parallel_loop3A_496, %parallel_loop3A_497, %parallel_loop3A_498], %parallel_loop3A_501 {add = true, strides = array<i32>} : memref<4x200x64xf32, #tpu.memory_space<vmem>>, vector<1x1x16xf32>,
        %parallel_loop3A_502 = arith.index_cast %parallel_loop3A_468 : i32 to index
        %parallel_loop3A_503 = arith.constant 48 : index
        %parallel_loop3A_504 = tpu.vector_load %arg7[%parallel_loop3A_502, %parallel_loop3A_503] {strides = array<i32>} : memref<200x64xf32, #tpu.memory_space<vmem>>, vector<1x16xf32>,
        %parallel_loop3A_505 = vector.shape_cast %parallel_loop3A_504 : vector<1x16xf32> to vector<16xf32>
        %parallel_loop3A_506 = arith.constant 1 : i32
        %parallel_loop3A_507 = arith.index_cast %parallel_loop3A_506 : i32 to index
        %parallel_loop3A_508 = arith.index_cast %parallel_loop3A_468 : i32 to index
        %parallel_loop3A_509 = arith.constant 48 : index
        %parallel_loop3A_510 = tpu.vector_load %arg8[%parallel_loop3A_507, %parallel_loop3A_508, %parallel_loop3A_509] {strides = array<i32>} : memref<4x200x64xf32, #tpu.memory_space<vmem>>, vector<1x1x16xf32>,
        %parallel_loop3A_511 = vector.shape_cast %parallel_loop3A_510 : vector<1x1x16xf32> to vector<16xf32>
        %parallel_loop3A_512 = vector.shape_cast %parallel_loop3A_505 : vector<16xf32> to vector<1x1x16xf32>
        tpu.vector_store %arg8[%parallel_loop3A_507, %parallel_loop3A_508, %parallel_loop3A_509], %parallel_loop3A_512 {add = true, strides = array<i32>} : memref<4x200x64xf32, #tpu.memory_space<vmem>>, vector<1x1x16xf32>,
      } {sc.loop_unroll_factor = 4 : i64, sc.parallel_access}
      %add3A_299 = arith.addi %mul3A_4, %add3A_265 : i32
      %dma_start3A_300 = arith.constant 1 : i32
      %dma_start3A_301 = arith.constant 1 : i32
      %dma_start3A_302 = arith.constant 0 : i32
      %dma_start3A_303 = arith.constant 0 : i32
      %dma_start3A_304 = tpu.memref_slice %arg8[%dma_start3A_300, %dma_start3A_302, %dma_start3A_303] : memref<4x200x64xf32, #tpu.memory_space<vmem>> -> memref<1x200x64xf32, #tpu.memory_space<vmem>>
      %dma_start3A_305 = tpu.memref_squeeze %dma_start3A_304 : memref<1x200x64xf32, #tpu.memory_space<vmem>> -> memref<200x64xf32, #tpu.memory_space<vmem>>
      %dma_start3A_306 = arith.constant 0 : i32
      %dma_start3A_307 = arith.constant 0 : i32
      %dma_start3A_308 = tpu.memref_slice %arg5[%add3A_299, %dma_start3A_306, %dma_start3A_307] : memref<4096x200x128xf32, #tpu.memory_space<hbm>> -> memref<1x200x64xf32, #tpu.memory_space<hbm>>
      %dma_start3A_309 = tpu.memref_squeeze %dma_start3A_308 : memref<1x200x64xf32, #tpu.memory_space<hbm>> -> memref<200x64xf32, #tpu.memory_space<hbm>>
      %dma_start3A_310 = tpu.memref_slice %arg10[%dma_start3A_301] : memref<4x!tpu.dma_semaphore, #tpu.memory_space<semaphore_mem>> -> memref<1x!tpu.dma_semaphore, #tpu.memory_space<semaphore_mem>>
      %dma_start3A_311 = tpu.memref_squeeze %dma_start3A_310 : memref<1x!tpu.dma_semaphore, #tpu.memory_space<semaphore_mem>> -> memref<!tpu.dma_semaphore, #tpu.memory_space<semaphore_mem>>
      %dma_start3A_312 = arith.constant 0 : i32
      %dma_start3A_313 = arith.constant 0 : i32
      %dma_start3A_314 = tpu.memref_slice %arg5[%add3A_299, %dma_start3A_312, %dma_start3A_313] : memref<4096x200x128xf32, #tpu.memory_space<hbm>> -> memref<1x200x64xf32, #tpu.memory_space<hbm>>
      %dma_start3A_315 = tpu.memref_squeeze %dma_start3A_314 : memref<1x200x64xf32, #tpu.memory_space<hbm>> -> memref<200x64xf32, #tpu.memory_space<hbm>>
      %dma_start3A_316 = arith.constant 0 : i32
      %dma_start3A_317 = arith.constant 0 : i32
      %dma_start3A_318 = tpu.memref_slice %arg8[%dma_start3A_300, %dma_start3A_316, %dma_start3A_317] : memref<4x200x64xf32, #tpu.memory_space<vmem>> -> memref<1x200x64xf32, #tpu.memory_space<vmem>>
      %dma_start3A_319 = tpu.memref_squeeze %dma_start3A_318 : memref<1x200x64xf32, #tpu.memory_space<vmem>> -> memref<200x64xf32, #tpu.memory_space<vmem>>
      tpu.enqueue_dma source(%dma_start3A_319 : memref<200x64xf32, #tpu.memory_space<vmem>>) target(%dma_start3A_315 : memref<200x64xf32, #tpu.memory_space<hbm>>) target_semaphore(%dma_start3A_311 : memref<!tpu.dma_semaphore, #tpu.memory_space<semaphore_mem>>)
      %sub3A_320 = arith.constant 1 : i32
      %sub3A_321 = arith.subi %add3A_265, %sub3A_320 : i32
      %add3A_322 = arith.constant 4 : i32
      %add3A_323 = arith.addi %sub3A_321, %add3A_322 : i32
      %ge3A_324 = arith.constant 0 : i32
      %ge3A_325 = arith.cmpi sge, %sub3A_321, %ge3A_324 : i32
      %lt3A_326 = arith.constant 128 : i32
      %lt3A_327 = arith.cmpi slt, %add3A_323, %lt3A_326 : i32
      %and3A_328 = arith.andi %ge3A_325, %lt3A_327 : i1
      %convert_element_type3A_329 = arith.extui %and3A_328 : i1 to i32
      %cond3A_330 = arith.constant 0 : i32
      %cond3A_331 = arith.cmpi ne, %convert_element_type3A_329, %cond3A_330 : i32
      scf.if %cond3A_331 {
        %add3A_468 = arith.addi %mul3A_4, %sub3A_321 : i32
        %dma_wait3A_469 = arith.constant 0 : i32
        %dma_wait3A_470 = arith.constant 0 : i32
        %dma_wait3A_471 = arith.constant 0 : i32
        %dma_wait3A_472 = arith.constant 0 : i32
        %dma_wait3A_473 = tpu.memref_slice %arg8[%dma_wait3A_469, %dma_wait3A_471, %dma_wait3A_472] : memref<4x200x64xf32, #tpu.memory_space<vmem>> -> memref<1x200x64xf32, #tpu.memory_space<vmem>>
        %dma_wait3A_474 = tpu.memref_squeeze %dma_wait3A_473 : memref<1x200x64xf32, #tpu.memory_space<vmem>> -> memref<200x64xf32, #tpu.memory_space<vmem>>
        %dma_wait3A_475 = arith.constant 0 : i32
        %dma_wait3A_476 = arith.constant 0 : i32
        %dma_wait3A_477 = tpu.memref_slice %arg5[%add3A_468, %dma_wait3A_475, %dma_wait3A_476] : memref<4096x200x128xf32, #tpu.memory_space<hbm>> -> memref<1x200x64xf32, #tpu.memory_space<hbm>>
        %dma_wait3A_478 = tpu.memref_squeeze %dma_wait3A_477 : memref<1x200x64xf32, #tpu.memory_space<hbm>> -> memref<200x64xf32, #tpu.memory_space<hbm>>
        %dma_wait3A_479 = tpu.memref_slice %arg10[%dma_wait3A_470] : memref<4x!tpu.dma_semaphore, #tpu.memory_space<semaphore_mem>> -> memref<1x!tpu.dma_semaphore, #tpu.memory_space<semaphore_mem>>
        %dma_wait3A_480 = tpu.memref_squeeze %dma_wait3A_479 : memref<1x!tpu.dma_semaphore, #tpu.memory_space<semaphore_mem>> -> memref<!tpu.dma_semaphore, #tpu.memory_space<semaphore_mem>>
        %dma_wait3A_481 = arith.constant 0 : i32
        %dma_wait3A_482 = arith.constant 0 : i32
        %dma_wait3A_483 = tpu.memref_slice %arg5[%add3A_468, %dma_wait3A_481, %dma_wait3A_482] : memref<4096x200x128xf32, #tpu.memory_space<hbm>> -> memref<1x200x64xf32, #tpu.memory_space<hbm>>
        %dma_wait3A_484 = tpu.memref_squeeze %dma_wait3A_483 : memref<1x200x64xf32, #tpu.memory_space<hbm>> -> memref<200x64xf32, #tpu.memory_space<hbm>>
        %dma_wait3A_485 = arith.constant 0 : i32
        %dma_wait3A_486 = arith.constant 0 : i32
        %dma_wait3A_487 = tpu.memref_slice %arg8[%dma_wait3A_469, %dma_wait3A_485, %dma_wait3A_486] : memref<4x200x64xf32, #tpu.memory_space<vmem>> -> memref<1x200x64xf32, #tpu.memory_space<vmem>>
        %dma_wait3A_488 = tpu.memref_squeeze %dma_wait3A_487 : memref<1x200x64xf32, #tpu.memory_space<vmem>> -> memref<200x64xf32, #tpu.memory_space<vmem>>
        tpu.wait_dma2 semaphore(%dma_wait3A_480 : memref<!tpu.dma_semaphore, #tpu.memory_space<semaphore_mem>>) src(%dma_wait3A_488 : memref<200x64xf32, #tpu.memory_space<vmem>>) dst(%dma_wait3A_484 : memref<200x64xf32, #tpu.memory_space<hbm>>)
        %mul3A_489 = arith.constant 200 : i32
        %mul3A_490 = arith.muli %add3A_323, %mul3A_489 : i32
        %dma_start3A_491 = arith.constant 0 : i32
        %dma_start3A_492 = arith.constant 0 : i32
        %dma_start3A_493 = arith.constant 0 : i32
        %dma_start3A_494 = arith.constant 0 : i32
        %dma_start3A_495 = tpu.memref_slice %arg8[%dma_start3A_491, %dma_start3A_493, %dma_start3A_494] : memref<4x200x64xf32, #tpu.memory_space<vmem>> -> memref<1x128x64xf32, #tpu.memory_space<vmem>>
        %dma_start3A_496 = tpu.memref_squeeze %dma_start3A_495 : memref<1x128x64xf32, #tpu.memory_space<vmem>> -> memref<128x64xf32, #tpu.memory_space<vmem>>
        %dma_start3A_497 = tpu.memref_slice %arg6[%mul3A_490] : memref<25600xi32, #tpu.memory_space<vmem>> -> memref<128xi32, #tpu.memory_space<vmem>>
        %dma_start3A_498 = arith.constant 0 : i32
        %dma_start3A_499 = arith.constant 0 : i32
        %dma_start3A_500 = tpu.memref_slice %arg3[%dma_start3A_498, %dma_start3A_499] : memref<2000000x64xf32, #tpu.memory_space<hbm>> -> memref<2000000x64xf32, #tpu.memory_space<hbm>>
        %dma_start3A_501 = tpu.memref_slice %arg9[%dma_start3A_492] : memref<4x!tpu.dma_semaphore, #tpu.memory_space<semaphore_mem>> -> memref<1x!tpu.dma_semaphore, #tpu.memory_space<semaphore_mem>>
        %dma_start3A_502 = tpu.memref_squeeze %dma_start3A_501 : memref<1x!tpu.dma_semaphore, #tpu.memory_space<semaphore_mem>> -> memref<!tpu.dma_semaphore, #tpu.memory_space<semaphore_mem>>
        tpu.enqueue_indirect_dma source(%dma_start3A_500 : memref<2000000x64xf32, #tpu.memory_space<hbm>>) target(%dma_start3A_496 : memref<128x64xf32, #tpu.memory_space<vmem>>) offsets(%dma_start3A_497 : memref<128xi32, #tpu.memory_space<vmem>>) semaphore(%dma_start3A_502 : memref<!tpu.dma_semaphore, #tpu.memory_space<semaphore_mem>>)
        %mul3A_503 = arith.constant 200 : i32
        %mul3A_504 = arith.muli %add3A_323, %mul3A_503 : i32
        %add3A_505 = arith.constant 128 : i32
        %add3A_506 = arith.addi %mul3A_504, %add3A_505 : i32
        %dma_start3A_507 = arith.constant 0 : i32
        %dma_start3A_508 = arith.constant 0 : i32
        %dma_start3A_509 = arith.constant 128 : i32
        %dma_start3A_510 = arith.constant 0 : i32
        %dma_start3A_511 = tpu.memref_slice %arg8[%dma_start3A_507, %dma_start3A_509, %dma_start3A_510] : memref<4x200x64xf32, #tpu.memory_space<vmem>> -> memref<1x72x64xf32, #tpu.memory_space<vmem>>
        %dma_start3A_512 = tpu.memref_squeeze %dma_start3A_511 : memref<1x72x64xf32, #tpu.memory_space<vmem>> -> memref<72x64xf32, #tpu.memory_space<vmem>>
        %dma_start3A_513 = tpu.memref_slice %arg6[%add3A_506] : memref<25600xi32, #tpu.memory_space<vmem>> -> memref<72xi32, #tpu.memory_space<vmem>>
        %dma_start3A_514 = arith.constant 0 : i32
        %dma_start3A_515 = arith.constant 0 : i32
        %dma_start3A_516 = tpu.memref_slice %arg3[%dma_start3A_514, %dma_start3A_515] : memref<2000000x64xf32, #tpu.memory_space<hbm>> -> memref<2000000x64xf32, #tpu.memory_space<hbm>>
        %dma_start3A_517 = tpu.memref_slice %arg9[%dma_start3A_508] : memref<4x!tpu.dma_semaphore, #tpu.memory_space<semaphore_mem>> -> memref<1x!tpu.dma_semaphore, #tpu.memory_space<semaphore_mem>>
        %dma_start3A_518 = tpu.memref_squeeze %dma_start3A_517 : memref<1x!tpu.dma_semaphore, #tpu.memory_space<semaphore_mem>> -> memref<!tpu.dma_semaphore, #tpu.memory_space<semaphore_mem>>
        tpu.enqueue_indirect_dma source(%dma_start3A_516 : memref<2000000x64xf32, #tpu.memory_space<hbm>>) target(%dma_start3A_512 : memref<72x64xf32, #tpu.memory_space<vmem>>) offsets(%dma_start3A_513 : memref<72xi32, #tpu.memory_space<vmem>>) semaphore(%dma_start3A_518 : memref<!tpu.dma_semaphore, #tpu.memory_space<semaphore_mem>>)
      } else {
      }
      %add3A_332 = arith.constant 2 : i32
      %add3A_333 = arith.addi %mul3A_202, %add3A_332 : i32
      %mul3A_334 = arith.constant 200 : i32
      %mul3A_335 = arith.muli %add3A_333, %mul3A_334 : i32
      %dma_wait3A_336 = arith.constant 2 : i32
      %dma_wait3A_337 = arith.constant 2 : i32
      %dma_wait3A_338 = arith.constant 0 : i32
      %dma_wait3A_339 = arith.constant 0 : i32
      %dma_wait3A_340 = tpu.memref_slice %arg8[%dma_wait3A_336, %dma_wait3A_338, %dma_wait3A_339] : memref<4x200x64xf32, #tpu.memory_space<vmem>> -> memref<1x128x64xf32, #tpu.memory_space<vmem>>
      %dma_wait3A_341 = tpu.memref_squeeze %dma_wait3A_340 : memref<1x128x64xf32, #tpu.memory_space<vmem>> -> memref<128x64xf32, #tpu.memory_space<vmem>>
      %dma_wait3A_342 = tpu.memref_slice %arg6[%mul3A_335] : memref<25600xi32, #tpu.memory_space<vmem>> -> memref<128xi32, #tpu.memory_space<vmem>>
      %dma_wait3A_343 = arith.constant 0 : i32
      %dma_wait3A_344 = arith.constant 0 : i32
      %dma_wait3A_345 = tpu.memref_slice %arg3[%dma_wait3A_343, %dma_wait3A_344] : memref<2000000x64xf32, #tpu.memory_space<hbm>> -> memref<2000000x64xf32, #tpu.memory_space<hbm>>
      %dma_wait3A_346 = tpu.memref_slice %arg9[%dma_wait3A_337] : memref<4x!tpu.dma_semaphore, #tpu.memory_space<semaphore_mem>> -> memref<1x!tpu.dma_semaphore, #tpu.memory_space<semaphore_mem>>
      %dma_wait3A_347 = tpu.memref_squeeze %dma_wait3A_346 : memref<1x!tpu.dma_semaphore, #tpu.memory_space<semaphore_mem>> -> memref<!tpu.dma_semaphore, #tpu.memory_space<semaphore_mem>>
      tpu.wait_indirect_dma semaphore(%dma_wait3A_347 : memref<!tpu.dma_semaphore, #tpu.memory_space<semaphore_mem>>) src(%dma_wait3A_345 : memref<2000000x64xf32, #tpu.memory_space<hbm>>) dst(%dma_wait3A_341 : memref<128x64xf32, #tpu.memory_space<vmem>>)
      %mul3A_348 = arith.constant 200 : i32
      %mul3A_349 = arith.muli %add3A_333, %mul3A_348 : i32
      %add3A_350 = arith.constant 128 : i32
      %add3A_351 = arith.addi %mul3A_349, %add3A_350 : i32
      %dma_wait3A_352 = arith.constant 2 : i32
      %dma_wait3A_353 = arith.constant 2 : i32
      %dma_wait3A_354 = arith.constant 128 : i32
      %dma_wait3A_355 = arith.constant 0 : i32
      %dma_wait3A_356 = tpu.memref_slice %arg8[%dma_wait3A_352, %dma_wait3A_354, %dma_wait3A_355] : memref<4x200x64xf32, #tpu.memory_space<vmem>> -> memref<1x72x64xf32, #tpu.memory_space<vmem>>
      %dma_wait3A_357 = tpu.memref_squeeze %dma_wait3A_356 : memref<1x72x64xf32, #tpu.memory_space<vmem>> -> memref<72x64xf32, #tpu.memory_space<vmem>>
      %dma_wait3A_358 = tpu.memref_slice %arg6[%add3A_351] : memref<25600xi32, #tpu.memory_space<vmem>> -> memref<72xi32, #tpu.memory_space<vmem>>
      %dma_wait3A_359 = arith.constant 0 : i32
      %dma_wait3A_360 = arith.constant 0 : i32
      %dma_wait3A_361 = tpu.memref_slice %arg3[%dma_wait3A_359, %dma_wait3A_360] : memref<2000000x64xf32, #tpu.memory_space<hbm>> -> memref<2000000x64xf32, #tpu.memory_space<hbm>>
      %dma_wait3A_362 = tpu.memref_slice %arg9[%dma_wait3A_353] : memref<4x!tpu.dma_semaphore, #tpu.memory_space<semaphore_mem>> -> memref<1x!tpu.dma_semaphore, #tpu.memory_space<semaphore_mem>>
      %dma_wait3A_363 = tpu.memref_squeeze %dma_wait3A_362 : memref<1x!tpu.dma_semaphore, #tpu.memory_space<semaphore_mem>> -> memref<!tpu.dma_semaphore, #tpu.memory_space<semaphore_mem>>
      tpu.wait_indirect_dma semaphore(%dma_wait3A_363 : memref<!tpu.dma_semaphore, #tpu.memory_space<semaphore_mem>>) src(%dma_wait3A_361 : memref<2000000x64xf32, #tpu.memory_space<hbm>>) dst(%dma_wait3A_357 : memref<72x64xf32, #tpu.memory_space<vmem>>)
      %parallel_loop3A_364 = arith.constant 0 : i32
      %parallel_loop3A_365 = arith.constant 200 : i32
      %parallel_loop3A_366 = arith.constant 1 : i32
      scf.for %parallel_loop3A_468 = %parallel_loop3A_364 to %parallel_loop3A_365 step %parallel_loop3A_366  : i32 {
        %parallel_loop3A_469 = arith.index_cast %parallel_loop3A_468 : i32 to index
        %parallel_loop3A_470 = arith.constant 0 : index
        %parallel_loop3A_471 = tpu.vector_load %arg7[%parallel_loop3A_469, %parallel_loop3A_470] {strides = array<i32>} : memref<200x64xf32, #tpu.memory_space<vmem>>, vector<1x16xf32>,
        %parallel_loop3A_472 = vector.shape_cast %parallel_loop3A_471 : vector<1x16xf32> to vector<16xf32>
        %parallel_loop3A_473 = arith.constant 2 : i32
        %parallel_loop3A_474 = arith.index_cast %parallel_loop3A_473 : i32 to index
        %parallel_loop3A_475 = arith.index_cast %parallel_loop3A_468 : i32 to index
        %parallel_loop3A_476 = arith.constant 0 : index
        %parallel_loop3A_477 = tpu.vector_load %arg8[%parallel_loop3A_474, %parallel_loop3A_475, %parallel_loop3A_476] {strides = array<i32>} : memref<4x200x64xf32, #tpu.memory_space<vmem>>, vector<1x1x16xf32>,
        %parallel_loop3A_478 = vector.shape_cast %parallel_loop3A_477 : vector<1x1x16xf32> to vector<16xf32>
        %parallel_loop3A_479 = vector.shape_cast %parallel_loop3A_472 : vector<16xf32> to vector<1x1x16xf32>
        tpu.vector_store %arg8[%parallel_loop3A_474, %parallel_loop3A_475, %parallel_loop3A_476], %parallel_loop3A_479 {add = true, strides = array<i32>} : memref<4x200x64xf32, #tpu.memory_space<vmem>>, vector<1x1x16xf32>,
        %parallel_loop3A_480 = arith.index_cast %parallel_loop3A_468 : i32 to index
        %parallel_loop3A_481 = arith.constant 16 : index
        %parallel_loop3A_482 = tpu.vector_load %arg7[%parallel_loop3A_480, %parallel_loop3A_481] {strides = array<i32>} : memref<200x64xf32, #tpu.memory_space<vmem>>, vector<1x16xf32>,
        %parallel_loop3A_483 = vector.shape_cast %parallel_loop3A_482 : vector<1x16xf32> to vector<16xf32>
        %parallel_loop3A_484 = arith.constant 2 : i32
        %parallel_loop3A_485 = arith.index_cast %parallel_loop3A_484 : i32 to index
        %parallel_loop3A_486 = arith.index_cast %parallel_loop3A_468 : i32 to index
        %parallel_loop3A_487 = arith.constant 16 : index
        %parallel_loop3A_488 = tpu.vector_load %arg8[%parallel_loop3A_485, %parallel_loop3A_486, %parallel_loop3A_487] {strides = array<i32>} : memref<4x200x64xf32, #tpu.memory_space<vmem>>, vector<1x1x16xf32>,
        %parallel_loop3A_489 = vector.shape_cast %parallel_loop3A_488 : vector<1x1x16xf32> to vector<16xf32>
        %parallel_loop3A_490 = vector.shape_cast %parallel_loop3A_483 : vector<16xf32> to vector<1x1x16xf32>
        tpu.vector_store %arg8[%parallel_loop3A_485, %parallel_loop3A_486, %parallel_loop3A_487], %parallel_loop3A_490 {add = true, strides = array<i32>} : memref<4x200x64xf32, #tpu.memory_space<vmem>>, vector<1x1x16xf32>,
        %parallel_loop3A_491 = arith.index_cast %parallel_loop3A_468 : i32 to index
        %parallel_loop3A_492 = arith.constant 32 : index
        %parallel_loop3A_493 = tpu.vector_load %arg7[%parallel_loop3A_491, %parallel_loop3A_492] {strides = array<i32>} : memref<200x64xf32, #tpu.memory_space<vmem>>, vector<1x16xf32>,
        %parallel_loop3A_494 = vector.shape_cast %parallel_loop3A_493 : vector<1x16xf32> to vector<16xf32>
        %parallel_loop3A_495 = arith.constant 2 : i32
        %parallel_loop3A_496 = arith.index_cast %parallel_loop3A_495 : i32 to index
        %parallel_loop3A_497 = arith.index_cast %parallel_loop3A_468 : i32 to index
        %parallel_loop3A_498 = arith.constant 32 : index
        %parallel_loop3A_499 = tpu.vector_load %arg8[%parallel_loop3A_496, %parallel_loop3A_497, %parallel_loop3A_498] {strides = array<i32>} : memref<4x200x64xf32, #tpu.memory_space<vmem>>, vector<1x1x16xf32>,
        %parallel_loop3A_500 = vector.shape_cast %parallel_loop3A_499 : vector<1x1x16xf32> to vector<16xf32>
        %parallel_loop3A_501 = vector.shape_cast %parallel_loop3A_494 : vector<16xf32> to vector<1x1x16xf32>
        tpu.vector_store %arg8[%parallel_loop3A_496, %parallel_loop3A_497, %parallel_loop3A_498], %parallel_loop3A_501 {add = true, strides = array<i32>} : memref<4x200x64xf32, #tpu.memory_space<vmem>>, vector<1x1x16xf32>,
        %parallel_loop3A_502 = arith.index_cast %parallel_loop3A_468 : i32 to index
        %parallel_loop3A_503 = arith.constant 48 : index
        %parallel_loop3A_504 = tpu.vector_load %arg7[%parallel_loop3A_502, %parallel_loop3A_503] {strides = array<i32>} : memref<200x64xf32, #tpu.memory_space<vmem>>, vector<1x16xf32>,
        %parallel_loop3A_505 = vector.shape_cast %parallel_loop3A_504 : vector<1x16xf32> to vector<16xf32>
        %parallel_loop3A_506 = arith.constant 2 : i32
        %parallel_loop3A_507 = arith.index_cast %parallel_loop3A_506 : i32 to index
        %parallel_loop3A_508 = arith.index_cast %parallel_loop3A_468 : i32 to index
        %parallel_loop3A_509 = arith.constant 48 : index
        %parallel_loop3A_510 = tpu.vector_load %arg8[%parallel_loop3A_507, %parallel_loop3A_508, %parallel_loop3A_509] {strides = array<i32>} : memref<4x200x64xf32, #tpu.memory_space<vmem>>, vector<1x1x16xf32>,
        %parallel_loop3A_511 = vector.shape_cast %parallel_loop3A_510 : vector<1x1x16xf32> to vector<16xf32>
        %parallel_loop3A_512 = vector.shape_cast %parallel_loop3A_505 : vector<16xf32> to vector<1x1x16xf32>
        tpu.vector_store %arg8[%parallel_loop3A_507, %parallel_loop3A_508, %parallel_loop3A_509], %parallel_loop3A_512 {add = true, strides = array<i32>} : memref<4x200x64xf32, #tpu.memory_space<vmem>>, vector<1x1x16xf32>,
      } {sc.loop_unroll_factor = 4 : i64, sc.parallel_access}
      %add3A_367 = arith.addi %mul3A_4, %add3A_333 : i32
      %dma_start3A_368 = arith.constant 2 : i32
      %dma_start3A_369 = arith.constant 2 : i32
      %dma_start3A_370 = arith.constant 0 : i32
      %dma_start3A_371 = arith.constant 0 : i32
      %dma_start3A_372 = tpu.memref_slice %arg8[%dma_start3A_368, %dma_start3A_370, %dma_start3A_371] : memref<4x200x64xf32, #tpu.memory_space<vmem>> -> memref<1x200x64xf32, #tpu.memory_space<vmem>>
      %dma_start3A_373 = tpu.memref_squeeze %dma_start3A_372 : memref<1x200x64xf32, #tpu.memory_space<vmem>> -> memref<200x64xf32, #tpu.memory_space<vmem>>
      %dma_start3A_374 = arith.constant 0 : i32
      %dma_start3A_375 = arith.constant 0 : i32
      %dma_start3A_376 = tpu.memref_slice %arg5[%add3A_367, %dma_start3A_374, %dma_start3A_375] : memref<4096x200x128xf32, #tpu.memory_space<hbm>> -> memref<1x200x64xf32, #tpu.memory_space<hbm>>
      %dma_start3A_377 = tpu.memref_squeeze %dma_start3A_376 : memref<1x200x64xf32, #tpu.memory_space<hbm>> -> memref<200x64xf32, #tpu.memory_space<hbm>>
      %dma_start3A_378 = tpu.memref_slice %arg10[%dma_start3A_369] : memref<4x!tpu.dma_semaphore, #tpu.memory_space<semaphore_mem>> -> memref<1x!tpu.dma_semaphore, #tpu.memory_space<semaphore_mem>>
      %dma_start3A_379 = tpu.memref_squeeze %dma_start3A_378 : memref<1x!tpu.dma_semaphore, #tpu.memory_space<semaphore_mem>> -> memref<!tpu.dma_semaphore, #tpu.memory_space<semaphore_mem>>
      %dma_start3A_380 = arith.constant 0 : i32
      %dma_start3A_381 = arith.constant 0 : i32
      %dma_start3A_382 = tpu.memref_slice %arg5[%add3A_367, %dma_start3A_380, %dma_start3A_381] : memref<4096x200x128xf32, #tpu.memory_space<hbm>> -> memref<1x200x64xf32, #tpu.memory_space<hbm>>
      %dma_start3A_383 = tpu.memref_squeeze %dma_start3A_382 : memref<1x200x64xf32, #tpu.memory_space<hbm>> -> memref<200x64xf32, #tpu.memory_space<hbm>>
      %dma_start3A_384 = arith.constant 0 : i32
      %dma_start3A_385 = arith.constant 0 : i32
      %dma_start3A_386 = tpu.memref_slice %arg8[%dma_start3A_368, %dma_start3A_384, %dma_start3A_385] : memref<4x200x64xf32, #tpu.memory_space<vmem>> -> memref<1x200x64xf32, #tpu.memory_space<vmem>>
      %dma_start3A_387 = tpu.memref_squeeze %dma_start3A_386 : memref<1x200x64xf32, #tpu.memory_space<vmem>> -> memref<200x64xf32, #tpu.memory_space<vmem>>
      tpu.enqueue_dma source(%dma_start3A_387 : memref<200x64xf32, #tpu.memory_space<vmem>>) target(%dma_start3A_383 : memref<200x64xf32, #tpu.memory_space<hbm>>) target_semaphore(%dma_start3A_379 : memref<!tpu.dma_semaphore, #tpu.memory_space<semaphore_mem>>)
      %sub3A_388 = arith.constant 1 : i32
      %sub3A_389 = arith.subi %add3A_333, %sub3A_388 : i32
      %add3A_390 = arith.constant 4 : i32
      %add3A_391 = arith.addi %sub3A_389, %add3A_390 : i32
      %ge3A_392 = arith.constant 0 : i32
      %ge3A_393 = arith.cmpi sge, %sub3A_389, %ge3A_392 : i32
      %lt3A_394 = arith.constant 128 : i32
      %lt3A_395 = arith.cmpi slt, %add3A_391, %lt3A_394 : i32
      %and3A_396 = arith.andi %ge3A_393, %lt3A_395 : i1
      %convert_element_type3A_397 = arith.extui %and3A_396 : i1 to i32
      %cond3A_398 = arith.constant 0 : i32
      %cond3A_399 = arith.cmpi ne, %convert_element_type3A_397, %cond3A_398 : i32
      scf.if %cond3A_399 {
        %add3A_468 = arith.addi %mul3A_4, %sub3A_389 : i32
        %dma_wait3A_469 = arith.constant 1 : i32
        %dma_wait3A_470 = arith.constant 1 : i32
        %dma_wait3A_471 = arith.constant 0 : i32
        %dma_wait3A_472 = arith.constant 0 : i32
        %dma_wait3A_473 = tpu.memref_slice %arg8[%dma_wait3A_469, %dma_wait3A_471, %dma_wait3A_472] : memref<4x200x64xf32, #tpu.memory_space<vmem>> -> memref<1x200x64xf32, #tpu.memory_space<vmem>>
        %dma_wait3A_474 = tpu.memref_squeeze %dma_wait3A_473 : memref<1x200x64xf32, #tpu.memory_space<vmem>> -> memref<200x64xf32, #tpu.memory_space<vmem>>
        %dma_wait3A_475 = arith.constant 0 : i32
        %dma_wait3A_476 = arith.constant 0 : i32
        %dma_wait3A_477 = tpu.memref_slice %arg5[%add3A_468, %dma_wait3A_475, %dma_wait3A_476] : memref<4096x200x128xf32, #tpu.memory_space<hbm>> -> memref<1x200x64xf32, #tpu.memory_space<hbm>>
        %dma_wait3A_478 = tpu.memref_squeeze %dma_wait3A_477 : memref<1x200x64xf32, #tpu.memory_space<hbm>> -> memref<200x64xf32, #tpu.memory_space<hbm>>
        %dma_wait3A_479 = tpu.memref_slice %arg10[%dma_wait3A_470] : memref<4x!tpu.dma_semaphore, #tpu.memory_space<semaphore_mem>> -> memref<1x!tpu.dma_semaphore, #tpu.memory_space<semaphore_mem>>
        %dma_wait3A_480 = tpu.memref_squeeze %dma_wait3A_479 : memref<1x!tpu.dma_semaphore, #tpu.memory_space<semaphore_mem>> -> memref<!tpu.dma_semaphore, #tpu.memory_space<semaphore_mem>>
        %dma_wait3A_481 = arith.constant 0 : i32
        %dma_wait3A_482 = arith.constant 0 : i32
        %dma_wait3A_483 = tpu.memref_slice %arg5[%add3A_468, %dma_wait3A_481, %dma_wait3A_482] : memref<4096x200x128xf32, #tpu.memory_space<hbm>> -> memref<1x200x64xf32, #tpu.memory_space<hbm>>
        %dma_wait3A_484 = tpu.memref_squeeze %dma_wait3A_483 : memref<1x200x64xf32, #tpu.memory_space<hbm>> -> memref<200x64xf32, #tpu.memory_space<hbm>>
        %dma_wait3A_485 = arith.constant 0 : i32
        %dma_wait3A_486 = arith.constant 0 : i32
        %dma_wait3A_487 = tpu.memref_slice %arg8[%dma_wait3A_469, %dma_wait3A_485, %dma_wait3A_486] : memref<4x200x64xf32, #tpu.memory_space<vmem>> -> memref<1x200x64xf32, #tpu.memory_space<vmem>>
        %dma_wait3A_488 = tpu.memref_squeeze %dma_wait3A_487 : memref<1x200x64xf32, #tpu.memory_space<vmem>> -> memref<200x64xf32, #tpu.memory_space<vmem>>
        tpu.wait_dma2 semaphore(%dma_wait3A_480 : memref<!tpu.dma_semaphore, #tpu.memory_space<semaphore_mem>>) src(%dma_wait3A_488 : memref<200x64xf32, #tpu.memory_space<vmem>>) dst(%dma_wait3A_484 : memref<200x64xf32, #tpu.memory_space<hbm>>)
        %mul3A_489 = arith.constant 200 : i32
        %mul3A_490 = arith.muli %add3A_391, %mul3A_489 : i32
        %dma_start3A_491 = arith.constant 1 : i32
        %dma_start3A_492 = arith.constant 1 : i32
        %dma_start3A_493 = arith.constant 0 : i32
        %dma_start3A_494 = arith.constant 0 : i32
        %dma_start3A_495 = tpu.memref_slice %arg8[%dma_start3A_491, %dma_start3A_493, %dma_start3A_494] : memref<4x200x64xf32, #tpu.memory_space<vmem>> -> memref<1x128x64xf32, #tpu.memory_space<vmem>>
        %dma_start3A_496 = tpu.memref_squeeze %dma_start3A_495 : memref<1x128x64xf32, #tpu.memory_space<vmem>> -> memref<128x64xf32, #tpu.memory_space<vmem>>
        %dma_start3A_497 = tpu.memref_slice %arg6[%mul3A_490] : memref<25600xi32, #tpu.memory_space<vmem>> -> memref<128xi32, #tpu.memory_space<vmem>>
        %dma_start3A_498 = arith.constant 0 : i32
        %dma_start3A_499 = arith.constant 0 : i32
        %dma_start3A_500 = tpu.memref_slice %arg3[%dma_start3A_498, %dma_start3A_499] : memref<2000000x64xf32, #tpu.memory_space<hbm>> -> memref<2000000x64xf32, #tpu.memory_space<hbm>>
        %dma_start3A_501 = tpu.memref_slice %arg9[%dma_start3A_492] : memref<4x!tpu.dma_semaphore, #tpu.memory_space<semaphore_mem>> -> memref<1x!tpu.dma_semaphore, #tpu.memory_space<semaphore_mem>>
        %dma_start3A_502 = tpu.memref_squeeze %dma_start3A_501 : memref<1x!tpu.dma_semaphore, #tpu.memory_space<semaphore_mem>> -> memref<!tpu.dma_semaphore, #tpu.memory_space<semaphore_mem>>
        tpu.enqueue_indirect_dma source(%dma_start3A_500 : memref<2000000x64xf32, #tpu.memory_space<hbm>>) target(%dma_start3A_496 : memref<128x64xf32, #tpu.memory_space<vmem>>) offsets(%dma_start3A_497 : memref<128xi32, #tpu.memory_space<vmem>>) semaphore(%dma_start3A_502 : memref<!tpu.dma_semaphore, #tpu.memory_space<semaphore_mem>>)
        %mul3A_503 = arith.constant 200 : i32
        %mul3A_504 = arith.muli %add3A_391, %mul3A_503 : i32
        %add3A_505 = arith.constant 128 : i32
        %add3A_506 = arith.addi %mul3A_504, %add3A_505 : i32
        %dma_start3A_507 = arith.constant 1 : i32
        %dma_start3A_508 = arith.constant 1 : i32
        %dma_start3A_509 = arith.constant 128 : i32
        %dma_start3A_510 = arith.constant 0 : i32
        %dma_start3A_511 = tpu.memref_slice %arg8[%dma_start3A_507, %dma_start3A_509, %dma_start3A_510] : memref<4x200x64xf32, #tpu.memory_space<vmem>> -> memref<1x72x64xf32, #tpu.memory_space<vmem>>
        %dma_start3A_512 = tpu.memref_squeeze %dma_start3A_511 : memref<1x72x64xf32, #tpu.memory_space<vmem>> -> memref<72x64xf32, #tpu.memory_space<vmem>>
        %dma_start3A_513 = tpu.memref_slice %arg6[%add3A_506] : memref<25600xi32, #tpu.memory_space<vmem>> -> memref<72xi32, #tpu.memory_space<vmem>>
        %dma_start3A_514 = arith.constant 0 : i32
        %dma_start3A_515 = arith.constant 0 : i32
        %dma_start3A_516 = tpu.memref_slice %arg3[%dma_start3A_514, %dma_start3A_515] : memref<2000000x64xf32, #tpu.memory_space<hbm>> -> memref<2000000x64xf32, #tpu.memory_space<hbm>>
        %dma_start3A_517 = tpu.memref_slice %arg9[%dma_start3A_508] : memref<4x!tpu.dma_semaphore, #tpu.memory_space<semaphore_mem>> -> memref<1x!tpu.dma_semaphore, #tpu.memory_space<semaphore_mem>>
        %dma_start3A_518 = tpu.memref_squeeze %dma_start3A_517 : memref<1x!tpu.dma_semaphore, #tpu.memory_space<semaphore_mem>> -> memref<!tpu.dma_semaphore, #tpu.memory_space<semaphore_mem>>
        tpu.enqueue_indirect_dma source(%dma_start3A_516 : memref<2000000x64xf32, #tpu.memory_space<hbm>>) target(%dma_start3A_512 : memref<72x64xf32, #tpu.memory_space<vmem>>) offsets(%dma_start3A_513 : memref<72xi32, #tpu.memory_space<vmem>>) semaphore(%dma_start3A_518 : memref<!tpu.dma_semaphore, #tpu.memory_space<semaphore_mem>>)
      } else {
      }
      %add3A_400 = arith.constant 3 : i32
      %add3A_401 = arith.addi %mul3A_202, %add3A_400 : i32
      %mul3A_402 = arith.constant 200 : i32
      %mul3A_403 = arith.muli %add3A_401, %mul3A_402 : i32
      %dma_wait3A_404 = arith.constant 3 : i32
      %dma_wait3A_405 = arith.constant 3 : i32
      %dma_wait3A_406 = arith.constant 0 : i32
      %dma_wait3A_407 = arith.constant 0 : i32
      %dma_wait3A_408 = tpu.memref_slice %arg8[%dma_wait3A_404, %dma_wait3A_406, %dma_wait3A_407] : memref<4x200x64xf32, #tpu.memory_space<vmem>> -> memref<1x128x64xf32, #tpu.memory_space<vmem>>
      %dma_wait3A_409 = tpu.memref_squeeze %dma_wait3A_408 : memref<1x128x64xf32, #tpu.memory_space<vmem>> -> memref<128x64xf32, #tpu.memory_space<vmem>>
      %dma_wait3A_410 = tpu.memref_slice %arg6[%mul3A_403] : memref<25600xi32, #tpu.memory_space<vmem>> -> memref<128xi32, #tpu.memory_space<vmem>>
      %dma_wait3A_411 = arith.constant 0 : i32
      %dma_wait3A_412 = arith.constant 0 : i32
      %dma_wait3A_413 = tpu.memref_slice %arg3[%dma_wait3A_411, %dma_wait3A_412] : memref<2000000x64xf32, #tpu.memory_space<hbm>> -> memref<2000000x64xf32, #tpu.memory_space<hbm>>
      %dma_wait3A_414 = tpu.memref_slice %arg9[%dma_wait3A_405] : memref<4x!tpu.dma_semaphore, #tpu.memory_space<semaphore_mem>> -> memref<1x!tpu.dma_semaphore, #tpu.memory_space<semaphore_mem>>
      %dma_wait3A_415 = tpu.memref_squeeze %dma_wait3A_414 : memref<1x!tpu.dma_semaphore, #tpu.memory_space<semaphore_mem>> -> memref<!tpu.dma_semaphore, #tpu.memory_space<semaphore_mem>>
      tpu.wait_indirect_dma semaphore(%dma_wait3A_415 : memref<!tpu.dma_semaphore, #tpu.memory_space<semaphore_mem>>) src(%dma_wait3A_413 : memref<2000000x64xf32, #tpu.memory_space<hbm>>) dst(%dma_wait3A_409 : memref<128x64xf32, #tpu.memory_space<vmem>>)
      %mul3A_416 = arith.constant 200 : i32
      %mul3A_417 = arith.muli %add3A_401, %mul3A_416 : i32
      %add3A_418 = arith.constant 128 : i32
      %add3A_419 = arith.addi %mul3A_417, %add3A_418 : i32
      %dma_wait3A_420 = arith.constant 3 : i32
      %dma_wait3A_421 = arith.constant 3 : i32
      %dma_wait3A_422 = arith.constant 128 : i32
      %dma_wait3A_423 = arith.constant 0 : i32
      %dma_wait3A_424 = tpu.memref_slice %arg8[%dma_wait3A_420, %dma_wait3A_422, %dma_wait3A_423] : memref<4x200x64xf32, #tpu.memory_space<vmem>> -> memref<1x72x64xf32, #tpu.memory_space<vmem>>
      %dma_wait3A_425 = tpu.memref_squeeze %dma_wait3A_424 : memref<1x72x64xf32, #tpu.memory_space<vmem>> -> memref<72x64xf32, #tpu.memory_space<vmem>>
      %dma_wait3A_426 = tpu.memref_slice %arg6[%add3A_419] : memref<25600xi32, #tpu.memory_space<vmem>> -> memref<72xi32, #tpu.memory_space<vmem>>
      %dma_wait3A_427 = arith.constant 0 : i32
      %dma_wait3A_428 = arith.constant 0 : i32
      %dma_wait3A_429 = tpu.memref_slice %arg3[%dma_wait3A_427, %dma_wait3A_428] : memref<2000000x64xf32, #tpu.memory_space<hbm>> -> memref<2000000x64xf32, #tpu.memory_space<hbm>>
      %dma_wait3A_430 = tpu.memref_slice %arg9[%dma_wait3A_421] : memref<4x!tpu.dma_semaphore, #tpu.memory_space<semaphore_mem>> -> memref<1x!tpu.dma_semaphore, #tpu.memory_space<semaphore_mem>>
      %dma_wait3A_431 = tpu.memref_squeeze %dma_wait3A_430 : memref<1x!tpu.dma_semaphore, #tpu.memory_space<semaphore_mem>> -> memref<!tpu.dma_semaphore, #tpu.memory_space<semaphore_mem>>
      tpu.wait_indirect_dma semaphore(%dma_wait3A_431 : memref<!tpu.dma_semaphore, #tpu.memory_space<semaphore_mem>>) src(%dma_wait3A_429 : memref<2000000x64xf32, #tpu.memory_space<hbm>>) dst(%dma_wait3A_425 : memref<72x64xf32, #tpu.memory_space<vmem>>)
      %parallel_loop3A_432 = arith.constant 0 : i32
      %parallel_loop3A_433 = arith.constant 200 : i32
      %parallel_loop3A_434 = arith.constant 1 : i32
      scf.for %parallel_loop3A_468 = %parallel_loop3A_432 to %parallel_loop3A_433 step %parallel_loop3A_434  : i32 {
        %parallel_loop3A_469 = arith.index_cast %parallel_loop3A_468 : i32 to index
        %parallel_loop3A_470 = arith.constant 0 : index
        %parallel_loop3A_471 = tpu.vector_load %arg7[%parallel_loop3A_469, %parallel_loop3A_470] {strides = array<i32>} : memref<200x64xf32, #tpu.memory_space<vmem>>, vector<1x16xf32>,
        %parallel_loop3A_472 = vector.shape_cast %parallel_loop3A_471 : vector<1x16xf32> to vector<16xf32>
        %parallel_loop3A_473 = arith.constant 3 : i32
        %parallel_loop3A_474 = arith.index_cast %parallel_loop3A_473 : i32 to index
        %parallel_loop3A_475 = arith.index_cast %parallel_loop3A_468 : i32 to index
        %parallel_loop3A_476 = arith.constant 0 : index
        %parallel_loop3A_477 = tpu.vector_load %arg8[%parallel_loop3A_474, %parallel_loop3A_475, %parallel_loop3A_476] {strides = array<i32>} : memref<4x200x64xf32, #tpu.memory_space<vmem>>, vector<1x1x16xf32>,
        %parallel_loop3A_478 = vector.shape_cast %parallel_loop3A_477 : vector<1x1x16xf32> to vector<16xf32>
        %parallel_loop3A_479 = vector.shape_cast %parallel_loop3A_472 : vector<16xf32> to vector<1x1x16xf32>
        tpu.vector_store %arg8[%parallel_loop3A_474, %parallel_loop3A_475, %parallel_loop3A_476], %parallel_loop3A_479 {add = true, strides = array<i32>} : memref<4x200x64xf32, #tpu.memory_space<vmem>>, vector<1x1x16xf32>,
        %parallel_loop3A_480 = arith.index_cast %parallel_loop3A_468 : i32 to index
        %parallel_loop3A_481 = arith.constant 16 : index
        %parallel_loop3A_482 = tpu.vector_load %arg7[%parallel_loop3A_480, %parallel_loop3A_481] {strides = array<i32>} : memref<200x64xf32, #tpu.memory_space<vmem>>, vector<1x16xf32>,
        %parallel_loop3A_483 = vector.shape_cast %parallel_loop3A_482 : vector<1x16xf32> to vector<16xf32>
        %parallel_loop3A_484 = arith.constant 3 : i32
        %parallel_loop3A_485 = arith.index_cast %parallel_loop3A_484 : i32 to index
        %parallel_loop3A_486 = arith.index_cast %parallel_loop3A_468 : i32 to index
        %parallel_loop3A_487 = arith.constant 16 : index
        %parallel_loop3A_488 = tpu.vector_load %arg8[%parallel_loop3A_485, %parallel_loop3A_486, %parallel_loop3A_487] {strides = array<i32>} : memref<4x200x64xf32, #tpu.memory_space<vmem>>, vector<1x1x16xf32>,
        %parallel_loop3A_489 = vector.shape_cast %parallel_loop3A_488 : vector<1x1x16xf32> to vector<16xf32>
        %parallel_loop3A_490 = vector.shape_cast %parallel_loop3A_483 : vector<16xf32> to vector<1x1x16xf32>
        tpu.vector_store %arg8[%parallel_loop3A_485, %parallel_loop3A_486, %parallel_loop3A_487], %parallel_loop3A_490 {add = true, strides = array<i32>} : memref<4x200x64xf32, #tpu.memory_space<vmem>>, vector<1x1x16xf32>,
        %parallel_loop3A_491 = arith.index_cast %parallel_loop3A_468 : i32 to index
        %parallel_loop3A_492 = arith.constant 32 : index
        %parallel_loop3A_493 = tpu.vector_load %arg7[%parallel_loop3A_491, %parallel_loop3A_492] {strides = array<i32>} : memref<200x64xf32, #tpu.memory_space<vmem>>, vector<1x16xf32>,
        %parallel_loop3A_494 = vector.shape_cast %parallel_loop3A_493 : vector<1x16xf32> to vector<16xf32>
        %parallel_loop3A_495 = arith.constant 3 : i32
        %parallel_loop3A_496 = arith.index_cast %parallel_loop3A_495 : i32 to index
        %parallel_loop3A_497 = arith.index_cast %parallel_loop3A_468 : i32 to index
        %parallel_loop3A_498 = arith.constant 32 : index
        %parallel_loop3A_499 = tpu.vector_load %arg8[%parallel_loop3A_496, %parallel_loop3A_497, %parallel_loop3A_498] {strides = array<i32>} : memref<4x200x64xf32, #tpu.memory_space<vmem>>, vector<1x1x16xf32>,
        %parallel_loop3A_500 = vector.shape_cast %parallel_loop3A_499 : vector<1x1x16xf32> to vector<16xf32>
        %parallel_loop3A_501 = vector.shape_cast %parallel_loop3A_494 : vector<16xf32> to vector<1x1x16xf32>
        tpu.vector_store %arg8[%parallel_loop3A_496, %parallel_loop3A_497, %parallel_loop3A_498], %parallel_loop3A_501 {add = true, strides = array<i32>} : memref<4x200x64xf32, #tpu.memory_space<vmem>>, vector<1x1x16xf32>,
        %parallel_loop3A_502 = arith.index_cast %parallel_loop3A_468 : i32 to index
        %parallel_loop3A_503 = arith.constant 48 : index
        %parallel_loop3A_504 = tpu.vector_load %arg7[%parallel_loop3A_502, %parallel_loop3A_503] {strides = array<i32>} : memref<200x64xf32, #tpu.memory_space<vmem>>, vector<1x16xf32>,
        %parallel_loop3A_505 = vector.shape_cast %parallel_loop3A_504 : vector<1x16xf32> to vector<16xf32>
        %parallel_loop3A_506 = arith.constant 3 : i32
        %parallel_loop3A_507 = arith.index_cast %parallel_loop3A_506 : i32 to index
        %parallel_loop3A_508 = arith.index_cast %parallel_loop3A_468 : i32 to index
        %parallel_loop3A_509 = arith.constant 48 : index
        %parallel_loop3A_510 = tpu.vector_load %arg8[%parallel_loop3A_507, %parallel_loop3A_508, %parallel_loop3A_509] {strides = array<i32>} : memref<4x200x64xf32, #tpu.memory_space<vmem>>, vector<1x1x16xf32>,
        %parallel_loop3A_511 = vector.shape_cast %parallel_loop3A_510 : vector<1x1x16xf32> to vector<16xf32>
        %parallel_loop3A_512 = vector.shape_cast %parallel_loop3A_505 : vector<16xf32> to vector<1x1x16xf32>
        tpu.vector_store %arg8[%parallel_loop3A_507, %parallel_loop3A_508, %parallel_loop3A_509], %parallel_loop3A_512 {add = true, strides = array<i32>} : memref<4x200x64xf32, #tpu.memory_space<vmem>>, vector<1x1x16xf32>,
      } {sc.loop_unroll_factor = 4 : i64, sc.parallel_access}
      %add3A_435 = arith.addi %mul3A_4, %add3A_401 : i32
      %dma_start3A_436 = arith.constant 3 : i32
      %dma_start3A_437 = arith.constant 3 : i32
      %dma_start3A_438 = arith.constant 0 : i32
      %dma_start3A_439 = arith.constant 0 : i32
      %dma_start3A_440 = tpu.memref_slice %arg8[%dma_start3A_436, %dma_start3A_438, %dma_start3A_439] : memref<4x200x64xf32, #tpu.memory_space<vmem>> -> memref<1x200x64xf32, #tpu.memory_space<vmem>>
      %dma_start3A_441 = tpu.memref_squeeze %dma_start3A_440 : memref<1x200x64xf32, #tpu.memory_space<vmem>> -> memref<200x64xf32, #tpu.memory_space<vmem>>
      %dma_start3A_442 = arith.constant 0 : i32
      %dma_start3A_443 = arith.constant 0 : i32
      %dma_start3A_444 = tpu.memref_slice %arg5[%add3A_435, %dma_start3A_442, %dma_start3A_443] : memref<4096x200x128xf32, #tpu.memory_space<hbm>> -> memref<1x200x64xf32, #tpu.memory_space<hbm>>
      %dma_start3A_445 = tpu.memref_squeeze %dma_start3A_444 : memref<1x200x64xf32, #tpu.memory_space<hbm>> -> memref<200x64xf32, #tpu.memory_space<hbm>>
      %dma_start3A_446 = tpu.memref_slice %arg10[%dma_start3A_437] : memref<4x!tpu.dma_semaphore, #tpu.memory_space<semaphore_mem>> -> memref<1x!tpu.dma_semaphore, #tpu.memory_space<semaphore_mem>>
      %dma_start3A_447 = tpu.memref_squeeze %dma_start3A_446 : memref<1x!tpu.dma_semaphore, #tpu.memory_space<semaphore_mem>> -> memref<!tpu.dma_semaphore, #tpu.memory_space<semaphore_mem>>
      %dma_start3A_448 = arith.constant 0 : i32
      %dma_start3A_449 = arith.constant 0 : i32
      %dma_start3A_450 = tpu.memref_slice %arg5[%add3A_435, %dma_start3A_448, %dma_start3A_449] : memref<4096x200x128xf32, #tpu.memory_space<hbm>> -> memref<1x200x64xf32, #tpu.memory_space<hbm>>
      %dma_start3A_451 = tpu.memref_squeeze %dma_start3A_450 : memref<1x200x64xf32, #tpu.memory_space<hbm>> -> memref<200x64xf32, #tpu.memory_space<hbm>>
      %dma_start3A_452 = arith.constant 0 : i32
      %dma_start3A_453 = arith.constant 0 : i32
      %dma_start3A_454 = tpu.memref_slice %arg8[%dma_start3A_436, %dma_start3A_452, %dma_start3A_453] : memref<4x200x64xf32, #tpu.memory_space<vmem>> -> memref<1x200x64xf32, #tpu.memory_space<vmem>>
      %dma_start3A_455 = tpu.memref_squeeze %dma_start3A_454 : memref<1x200x64xf32, #tpu.memory_space<vmem>> -> memref<200x64xf32, #tpu.memory_space<vmem>>
      tpu.enqueue_dma source(%dma_start3A_455 : memref<200x64xf32, #tpu.memory_space<vmem>>) target(%dma_start3A_451 : memref<200x64xf32, #tpu.memory_space<hbm>>) target_semaphore(%dma_start3A_447 : memref<!tpu.dma_semaphore, #tpu.memory_space<semaphore_mem>>)
      %sub3A_456 = arith.constant 1 : i32
      %sub3A_457 = arith.subi %add3A_401, %sub3A_456 : i32
      %add3A_458 = arith.constant 4 : i32
      %add3A_459 = arith.addi %sub3A_457, %add3A_458 : i32
      %ge3A_460 = arith.constant 0 : i32
      %ge3A_461 = arith.cmpi sge, %sub3A_457, %ge3A_460 : i32
      %lt3A_462 = arith.constant 128 : i32
      %lt3A_463 = arith.cmpi slt, %add3A_459, %lt3A_462 : i32
      %and3A_464 = arith.andi %ge3A_461, %lt3A_463 : i1
      %convert_element_type3A_465 = arith.extui %and3A_464 : i1 to i32
      %cond3A_466 = arith.constant 0 : i32
      %cond3A_467 = arith.cmpi ne, %convert_element_type3A_465, %cond3A_466 : i32
      scf.if %cond3A_467 {
        %add3A_468 = arith.addi %mul3A_4, %sub3A_457 : i32
        %dma_wait3A_469 = arith.constant 2 : i32
        %dma_wait3A_470 = arith.constant 2 : i32
        %dma_wait3A_471 = arith.constant 0 : i32
        %dma_wait3A_472 = arith.constant 0 : i32
        %dma_wait3A_473 = tpu.memref_slice %arg8[%dma_wait3A_469, %dma_wait3A_471, %dma_wait3A_472] : memref<4x200x64xf32, #tpu.memory_space<vmem>> -> memref<1x200x64xf32, #tpu.memory_space<vmem>>
        %dma_wait3A_474 = tpu.memref_squeeze %dma_wait3A_473 : memref<1x200x64xf32, #tpu.memory_space<vmem>> -> memref<200x64xf32, #tpu.memory_space<vmem>>
        %dma_wait3A_475 = arith.constant 0 : i32
        %dma_wait3A_476 = arith.constant 0 : i32
        %dma_wait3A_477 = tpu.memref_slice %arg5[%add3A_468, %dma_wait3A_475, %dma_wait3A_476] : memref<4096x200x128xf32, #tpu.memory_space<hbm>> -> memref<1x200x64xf32, #tpu.memory_space<hbm>>
        %dma_wait3A_478 = tpu.memref_squeeze %dma_wait3A_477 : memref<1x200x64xf32, #tpu.memory_space<hbm>> -> memref<200x64xf32, #tpu.memory_space<hbm>>
        %dma_wait3A_479 = tpu.memref_slice %arg10[%dma_wait3A_470] : memref<4x!tpu.dma_semaphore, #tpu.memory_space<semaphore_mem>> -> memref<1x!tpu.dma_semaphore, #tpu.memory_space<semaphore_mem>>
        %dma_wait3A_480 = tpu.memref_squeeze %dma_wait3A_479 : memref<1x!tpu.dma_semaphore, #tpu.memory_space<semaphore_mem>> -> memref<!tpu.dma_semaphore, #tpu.memory_space<semaphore_mem>>
        %dma_wait3A_481 = arith.constant 0 : i32
        %dma_wait3A_482 = arith.constant 0 : i32
        %dma_wait3A_483 = tpu.memref_slice %arg5[%add3A_468, %dma_wait3A_481, %dma_wait3A_482] : memref<4096x200x128xf32, #tpu.memory_space<hbm>> -> memref<1x200x64xf32, #tpu.memory_space<hbm>>
        %dma_wait3A_484 = tpu.memref_squeeze %dma_wait3A_483 : memref<1x200x64xf32, #tpu.memory_space<hbm>> -> memref<200x64xf32, #tpu.memory_space<hbm>>
        %dma_wait3A_485 = arith.constant 0 : i32
        %dma_wait3A_486 = arith.constant 0 : i32
        %dma_wait3A_487 = tpu.memref_slice %arg8[%dma_wait3A_469, %dma_wait3A_485, %dma_wait3A_486] : memref<4x200x64xf32, #tpu.memory_space<vmem>> -> memref<1x200x64xf32, #tpu.memory_space<vmem>>
        %dma_wait3A_488 = tpu.memref_squeeze %dma_wait3A_487 : memref<1x200x64xf32, #tpu.memory_space<vmem>> -> memref<200x64xf32, #tpu.memory_space<vmem>>
        tpu.wait_dma2 semaphore(%dma_wait3A_480 : memref<!tpu.dma_semaphore, #tpu.memory_space<semaphore_mem>>) src(%dma_wait3A_488 : memref<200x64xf32, #tpu.memory_space<vmem>>) dst(%dma_wait3A_484 : memref<200x64xf32, #tpu.memory_space<hbm>>)
        %mul3A_489 = arith.constant 200 : i32
        %mul3A_490 = arith.muli %add3A_459, %mul3A_489 : i32
        %dma_start3A_491 = arith.constant 2 : i32
        %dma_start3A_492 = arith.constant 2 : i32
        %dma_start3A_493 = arith.constant 0 : i32
        %dma_start3A_494 = arith.constant 0 : i32
        %dma_start3A_495 = tpu.memref_slice %arg8[%dma_start3A_491, %dma_start3A_493, %dma_start3A_494] : memref<4x200x64xf32, #tpu.memory_space<vmem>> -> memref<1x128x64xf32, #tpu.memory_space<vmem>>
        %dma_start3A_496 = tpu.memref_squeeze %dma_start3A_495 : memref<1x128x64xf32, #tpu.memory_space<vmem>> -> memref<128x64xf32, #tpu.memory_space<vmem>>
        %dma_start3A_497 = tpu.memref_slice %arg6[%mul3A_490] : memref<25600xi32, #tpu.memory_space<vmem>> -> memref<128xi32, #tpu.memory_space<vmem>>
        %dma_start3A_498 = arith.constant 0 : i32
        %dma_start3A_499 = arith.constant 0 : i32
        %dma_start3A_500 = tpu.memref_slice %arg3[%dma_start3A_498, %dma_start3A_499] : memref<2000000x64xf32, #tpu.memory_space<hbm>> -> memref<2000000x64xf32, #tpu.memory_space<hbm>>
        %dma_start3A_501 = tpu.memref_slice %arg9[%dma_start3A_492] : memref<4x!tpu.dma_semaphore, #tpu.memory_space<semaphore_mem>> -> memref<1x!tpu.dma_semaphore, #tpu.memory_space<semaphore_mem>>
        %dma_start3A_502 = tpu.memref_squeeze %dma_start3A_501 : memref<1x!tpu.dma_semaphore, #tpu.memory_space<semaphore_mem>> -> memref<!tpu.dma_semaphore, #tpu.memory_space<semaphore_mem>>
        tpu.enqueue_indirect_dma source(%dma_start3A_500 : memref<2000000x64xf32, #tpu.memory_space<hbm>>) target(%dma_start3A_496 : memref<128x64xf32, #tpu.memory_space<vmem>>) offsets(%dma_start3A_497 : memref<128xi32, #tpu.memory_space<vmem>>) semaphore(%dma_start3A_502 : memref<!tpu.dma_semaphore, #tpu.memory_space<semaphore_mem>>)
        %mul3A_503 = arith.constant 200 : i32
        %mul3A_504 = arith.muli %add3A_459, %mul3A_503 : i32
        %add3A_505 = arith.constant 128 : i32
        %add3A_506 = arith.addi %mul3A_504, %add3A_505 : i32
        %dma_start3A_507 = arith.constant 2 : i32
        %dma_start3A_508 = arith.constant 2 : i32
        %dma_start3A_509 = arith.constant 128 : i32
        %dma_start3A_510 = arith.constant 0 : i32
        %dma_start3A_511 = tpu.memref_slice %arg8[%dma_start3A_507, %dma_start3A_509, %dma_start3A_510] : memref<4x200x64xf32, #tpu.memory_space<vmem>> -> memref<1x72x64xf32, #tpu.memory_space<vmem>>
        %dma_start3A_512 = tpu.memref_squeeze %dma_start3A_511 : memref<1x72x64xf32, #tpu.memory_space<vmem>> -> memref<72x64xf32, #tpu.memory_space<vmem>>
        %dma_start3A_513 = tpu.memref_slice %arg6[%add3A_506] : memref<25600xi32, #tpu.memory_space<vmem>> -> memref<72xi32, #tpu.memory_space<vmem>>
        %dma_start3A_514 = arith.constant 0 : i32
        %dma_start3A_515 = arith.constant 0 : i32
        %dma_start3A_516 = tpu.memref_slice %arg3[%dma_start3A_514, %dma_start3A_515] : memref<2000000x64xf32, #tpu.memory_space<hbm>> -> memref<2000000x64xf32, #tpu.memory_space<hbm>>
        %dma_start3A_517 = tpu.memref_slice %arg9[%dma_start3A_508] : memref<4x!tpu.dma_semaphore, #tpu.memory_space<semaphore_mem>> -> memref<1x!tpu.dma_semaphore, #tpu.memory_space<semaphore_mem>>
        %dma_start3A_518 = tpu.memref_squeeze %dma_start3A_517 : memref<1x!tpu.dma_semaphore, #tpu.memory_space<semaphore_mem>> -> memref<!tpu.dma_semaphore, #tpu.memory_space<semaphore_mem>>
        tpu.enqueue_indirect_dma source(%dma_start3A_516 : memref<2000000x64xf32, #tpu.memory_space<hbm>>) target(%dma_start3A_512 : memref<72x64xf32, #tpu.memory_space<vmem>>) offsets(%dma_start3A_513 : memref<72xi32, #tpu.memory_space<vmem>>) semaphore(%dma_start3A_518 : memref<!tpu.dma_semaphore, #tpu.memory_space<semaphore_mem>>)
      } else {
      }
    }
    %scan3A_112 = arith.constant 32 : i32
    %add3A_113 = arith.constant 124 : i32
    %add3A_114 = arith.addi %mul3A_4, %add3A_113 : i32
    %dma_wait3A = arith.constant 0 : i32
    %dma_wait3A_115 = arith.constant 0 : i32
    %dma_wait3A_116 = arith.constant 0 : i32
    %dma_wait3A_117 = arith.constant 0 : i32
    %dma_wait3A_118 = tpu.memref_slice %arg8[%dma_wait3A, %dma_wait3A_116, %dma_wait3A_117] : memref<4x200x64xf32, #tpu.memory_space<vmem>> -> memref<1x200x64xf32, #tpu.memory_space<vmem>>
    %dma_wait3A_119 = tpu.memref_squeeze %dma_wait3A_118 : memref<1x200x64xf32, #tpu.memory_space<vmem>> -> memref<200x64xf32, #tpu.memory_space<vmem>>
    %dma_wait3A_120 = arith.constant 0 : i32
    %dma_wait3A_121 = arith.constant 0 : i32
    %dma_wait3A_122 = tpu.memref_slice %arg5[%add3A_114, %dma_wait3A_120, %dma_wait3A_121] : memref<4096x200x128xf32, #tpu.memory_space<hbm>> -> memref<1x200x64xf32, #tpu.memory_space<hbm>>
    %dma_wait3A_123 = tpu.memref_squeeze %dma_wait3A_122 : memref<1x200x64xf32, #tpu.memory_space<hbm>> -> memref<200x64xf32, #tpu.memory_space<hbm>>
    %dma_wait3A_124 = tpu.memref_slice %arg10[%dma_wait3A_115] : memref<4x!tpu.dma_semaphore, #tpu.memory_space<semaphore_mem>> -> memref<1x!tpu.dma_semaphore, #tpu.memory_space<semaphore_mem>>
    %dma_wait3A_125 = tpu.memref_squeeze %dma_wait3A_124 : memref<1x!tpu.dma_semaphore, #tpu.memory_space<semaphore_mem>> -> memref<!tpu.dma_semaphore, #tpu.memory_space<semaphore_mem>>
    %dma_wait3A_126 = arith.constant 0 : i32
    %dma_wait3A_127 = arith.constant 0 : i32
    %dma_wait3A_128 = tpu.memref_slice %arg5[%add3A_114, %dma_wait3A_126, %dma_wait3A_127] : memref<4096x200x128xf32, #tpu.memory_space<hbm>> -> memref<1x200x64xf32, #tpu.memory_space<hbm>>
    %dma_wait3A_129 = tpu.memref_squeeze %dma_wait3A_128 : memref<1x200x64xf32, #tpu.memory_space<hbm>> -> memref<200x64xf32, #tpu.memory_space<hbm>>
    %dma_wait3A_130 = arith.constant 0 : i32
    %dma_wait3A_131 = arith.constant 0 : i32
    %dma_wait3A_132 = tpu.memref_slice %arg8[%dma_wait3A, %dma_wait3A_130, %dma_wait3A_131] : memref<4x200x64xf32, #tpu.memory_space<vmem>> -> memref<1x200x64xf32, #tpu.memory_space<vmem>>
    %dma_wait3A_133 = tpu.memref_squeeze %dma_wait3A_132 : memref<1x200x64xf32, #tpu.memory_space<vmem>> -> memref<200x64xf32, #tpu.memory_space<vmem>>
    tpu.wait_dma2 semaphore(%dma_wait3A_125 : memref<!tpu.dma_semaphore, #tpu.memory_space<semaphore_mem>>) src(%dma_wait3A_133 : memref<200x64xf32, #tpu.memory_space<vmem>>) dst(%dma_wait3A_129 : memref<200x64xf32, #tpu.memory_space<hbm>>)
    %add3A_134 = arith.constant 125 : i32
    %add3A_135 = arith.addi %mul3A_4, %add3A_134 : i32
    %dma_wait3A_136 = arith.constant 1 : i32
    %dma_wait3A_137 = arith.constant 1 : i32
    %dma_wait3A_138 = arith.constant 0 : i32
    %dma_wait3A_139 = arith.constant 0 : i32
    %dma_wait3A_140 = tpu.memref_slice %arg8[%dma_wait3A_136, %dma_wait3A_138, %dma_wait3A_139] : memref<4x200x64xf32, #tpu.memory_space<vmem>> -> memref<1x200x64xf32, #tpu.memory_space<vmem>>
    %dma_wait3A_141 = tpu.memref_squeeze %dma_wait3A_140 : memref<1x200x64xf32, #tpu.memory_space<vmem>> -> memref<200x64xf32, #tpu.memory_space<vmem>>
    %dma_wait3A_142 = arith.constant 0 : i32
    %dma_wait3A_143 = arith.constant 0 : i32
    %dma_wait3A_144 = tpu.memref_slice %arg5[%add3A_135, %dma_wait3A_142, %dma_wait3A_143] : memref<4096x200x128xf32, #tpu.memory_space<hbm>> -> memref<1x200x64xf32, #tpu.memory_space<hbm>>
    %dma_wait3A_145 = tpu.memref_squeeze %dma_wait3A_144 : memref<1x200x64xf32, #tpu.memory_space<hbm>> -> memref<200x64xf32, #tpu.memory_space<hbm>>
    %dma_wait3A_146 = tpu.memref_slice %arg10[%dma_wait3A_137] : memref<4x!tpu.dma_semaphore, #tpu.memory_space<semaphore_mem>> -> memref<1x!tpu.dma_semaphore, #tpu.memory_space<semaphore_mem>>
    %dma_wait3A_147 = tpu.memref_squeeze %dma_wait3A_146 : memref<1x!tpu.dma_semaphore, #tpu.memory_space<semaphore_mem>> -> memref<!tpu.dma_semaphore, #tpu.memory_space<semaphore_mem>>
    %dma_wait3A_148 = arith.constant 0 : i32
    %dma_wait3A_149 = arith.constant 0 : i32
    %dma_wait3A_150 = tpu.memref_slice %arg5[%add3A_135, %dma_wait3A_148, %dma_wait3A_149] : memref<4096x200x128xf32, #tpu.memory_space<hbm>> -> memref<1x200x64xf32, #tpu.memory_space<hbm>>
    %dma_wait3A_151 = tpu.memref_squeeze %dma_wait3A_150 : memref<1x200x64xf32, #tpu.memory_space<hbm>> -> memref<200x64xf32, #tpu.memory_space<hbm>>
    %dma_wait3A_152 = arith.constant 0 : i32
    %dma_wait3A_153 = arith.constant 0 : i32
    %dma_wait3A_154 = tpu.memref_slice %arg8[%dma_wait3A_136, %dma_wait3A_152, %dma_wait3A_153] : memref<4x200x64xf32, #tpu.memory_space<vmem>> -> memref<1x200x64xf32, #tpu.memory_space<vmem>>
    %dma_wait3A_155 = tpu.memref_squeeze %dma_wait3A_154 : memref<1x200x64xf32, #tpu.memory_space<vmem>> -> memref<200x64xf32, #tpu.memory_space<vmem>>
    tpu.wait_dma2 semaphore(%dma_wait3A_147 : memref<!tpu.dma_semaphore, #tpu.memory_space<semaphore_mem>>) src(%dma_wait3A_155 : memref<200x64xf32, #tpu.memory_space<vmem>>) dst(%dma_wait3A_151 : memref<200x64xf32, #tpu.memory_space<hbm>>)
    %add3A_156 = arith.constant 126 : i32
    %add3A_157 = arith.addi %mul3A_4, %add3A_156 : i32
    %dma_wait3A_158 = arith.constant 2 : i32
    %dma_wait3A_159 = arith.constant 2 : i32
    %dma_wait3A_160 = arith.constant 0 : i32
    %dma_wait3A_161 = arith.constant 0 : i32
    %dma_wait3A_162 = tpu.memref_slice %arg8[%dma_wait3A_158, %dma_wait3A_160, %dma_wait3A_161] : memref<4x200x64xf32, #tpu.memory_space<vmem>> -> memref<1x200x64xf32, #tpu.memory_space<vmem>>
    %dma_wait3A_163 = tpu.memref_squeeze %dma_wait3A_162 : memref<1x200x64xf32, #tpu.memory_space<vmem>> -> memref<200x64xf32, #tpu.memory_space<vmem>>
    %dma_wait3A_164 = arith.constant 0 : i32
    %dma_wait3A_165 = arith.constant 0 : i32
    %dma_wait3A_166 = tpu.memref_slice %arg5[%add3A_157, %dma_wait3A_164, %dma_wait3A_165] : memref<4096x200x128xf32, #tpu.memory_space<hbm>> -> memref<1x200x64xf32, #tpu.memory_space<hbm>>
    %dma_wait3A_167 = tpu.memref_squeeze %dma_wait3A_166 : memref<1x200x64xf32, #tpu.memory_space<hbm>> -> memref<200x64xf32, #tpu.memory_space<hbm>>
    %dma_wait3A_168 = tpu.memref_slice %arg10[%dma_wait3A_159] : memref<4x!tpu.dma_semaphore, #tpu.memory_space<semaphore_mem>> -> memref<1x!tpu.dma_semaphore, #tpu.memory_space<semaphore_mem>>
    %dma_wait3A_169 = tpu.memref_squeeze %dma_wait3A_168 : memref<1x!tpu.dma_semaphore, #tpu.memory_space<semaphore_mem>> -> memref<!tpu.dma_semaphore, #tpu.memory_space<semaphore_mem>>
    %dma_wait3A_170 = arith.constant 0 : i32
    %dma_wait3A_171 = arith.constant 0 : i32
    %dma_wait3A_172 = tpu.memref_slice %arg5[%add3A_157, %dma_wait3A_170, %dma_wait3A_171] : memref<4096x200x128xf32, #tpu.memory_space<hbm>> -> memref<1x200x64xf32, #tpu.memory_space<hbm>>
    %dma_wait3A_173 = tpu.memref_squeeze %dma_wait3A_172 : memref<1x200x64xf32, #tpu.memory_space<hbm>> -> memref<200x64xf32, #tpu.memory_space<hbm>>
    %dma_wait3A_174 = arith.constant 0 : i32
    %dma_wait3A_175 = arith.constant 0 : i32
    %dma_wait3A_176 = tpu.memref_slice %arg8[%dma_wait3A_158, %dma_wait3A_174, %dma_wait3A_175] : memref<4x200x64xf32, #tpu.memory_space<vmem>> -> memref<1x200x64xf32, #tpu.memory_space<vmem>>
    %dma_wait3A_177 = tpu.memref_squeeze %dma_wait3A_176 : memref<1x200x64xf32, #tpu.memory_space<vmem>> -> memref<200x64xf32, #tpu.memory_space<vmem>>
    tpu.wait_dma2 semaphore(%dma_wait3A_169 : memref<!tpu.dma_semaphore, #tpu.memory_space<semaphore_mem>>) src(%dma_wait3A_177 : memref<200x64xf32, #tpu.memory_space<vmem>>) dst(%dma_wait3A_173 : memref<200x64xf32, #tpu.memory_space<hbm>>)
    %add3A_178 = arith.constant 127 : i32
    %add3A_179 = arith.addi %mul3A_4, %add3A_178 : i32
    %dma_wait3A_180 = arith.constant 3 : i32
    %dma_wait3A_181 = arith.constant 3 : i32
    %dma_wait3A_182 = arith.constant 0 : i32
    %dma_wait3A_183 = arith.constant 0 : i32
    %dma_wait3A_184 = tpu.memref_slice %arg8[%dma_wait3A_180, %dma_wait3A_182, %dma_wait3A_183] : memref<4x200x64xf32, #tpu.memory_space<vmem>> -> memref<1x200x64xf32, #tpu.memory_space<vmem>>
    %dma_wait3A_185 = tpu.memref_squeeze %dma_wait3A_184 : memref<1x200x64xf32, #tpu.memory_space<vmem>> -> memref<200x64xf32, #tpu.memory_space<vmem>>
    %dma_wait3A_186 = arith.constant 0 : i32
    %dma_wait3A_187 = arith.constant 0 : i32
    %dma_wait3A_188 = tpu.memref_slice %arg5[%add3A_179, %dma_wait3A_186, %dma_wait3A_187] : memref<4096x200x128xf32, #tpu.memory_space<hbm>> -> memref<1x200x64xf32, #tpu.memory_space<hbm>>
    %dma_wait3A_189 = tpu.memref_squeeze %dma_wait3A_188 : memref<1x200x64xf32, #tpu.memory_space<hbm>> -> memref<200x64xf32, #tpu.memory_space<hbm>>
    %dma_wait3A_190 = tpu.memref_slice %arg10[%dma_wait3A_181] : memref<4x!tpu.dma_semaphore, #tpu.memory_space<semaphore_mem>> -> memref<1x!tpu.dma_semaphore, #tpu.memory_space<semaphore_mem>>
    %dma_wait3A_191 = tpu.memref_squeeze %dma_wait3A_190 : memref<1x!tpu.dma_semaphore, #tpu.memory_space<semaphore_mem>> -> memref<!tpu.dma_semaphore, #tpu.memory_space<semaphore_mem>>
    %dma_wait3A_192 = arith.constant 0 : i32
    %dma_wait3A_193 = arith.constant 0 : i32
    %dma_wait3A_194 = tpu.memref_slice %arg5[%add3A_179, %dma_wait3A_192, %dma_wait3A_193] : memref<4096x200x128xf32, #tpu.memory_space<hbm>> -> memref<1x200x64xf32, #tpu.memory_space<hbm>>
    %dma_wait3A_195 = tpu.memref_squeeze %dma_wait3A_194 : memref<1x200x64xf32, #tpu.memory_space<hbm>> -> memref<200x64xf32, #tpu.memory_space<hbm>>
    %dma_wait3A_196 = arith.constant 0 : i32
    %dma_wait3A_197 = arith.constant 0 : i32
    %dma_wait3A_198 = tpu.memref_slice %arg8[%dma_wait3A_180, %dma_wait3A_196, %dma_wait3A_197] : memref<4x200x64xf32, #tpu.memory_space<vmem>> -> memref<1x200x64xf32, #tpu.memory_space<vmem>>
    %dma_wait3A_199 = tpu.memref_squeeze %dma_wait3A_198 : memref<1x200x64xf32, #tpu.memory_space<vmem>> -> memref<200x64xf32, #tpu.memory_space<vmem>>
    tpu.wait_dma2 semaphore(%dma_wait3A_191 : memref<!tpu.dma_semaphore, #tpu.memory_space<semaphore_mem>>) src(%dma_wait3A_199 : memref<200x64xf32, #tpu.memory_space<vmem>>) dst(%dma_wait3A_195 : memref<200x64xf32, #tpu.memory_space<hbm>>)
    return
  }
}

</mosaic_0001>

<sc_bundles>
// kernel: kernel.3.cloned.1.call-start
scs
__scs_entry_jumppad:
0x0: {  	(pc) =	sbr.rel $0x88, $3  }
0x1: {  	(tag) =	ssettag $0x0;
	lr =	simm.s32 $0x1  }
0x2: {  	[smem:$0x3F9E] =	sst lr;
	_ =	strace $0xD0000000  }
0x3: {  	_ = 	snop  }
0x4: {  	_ = 	snop  }
0x5: {  	_ = 	snop  }
0x6: {  	_ = 	snop  }
0x7: {  	_ = 	snop  }
__scs_overlays_trampoline_lowered:
0x8: {  	[smem:$0x3FAD] =	sst s0  }
0x9: {  	[smem:$0x3FAE] =	sst s1  }
0xa: {  	[smem:$0x3FAF] =	sst s2  }
0xb: {  	[smem:$0x3FB0] =	sst s3  }
0xc: {  	[smem:$0x3FB1] =	sst s4  }
0xd: {  	[smem:$0x3FB2] =	sst s5  }
0xe: {  	[smem:$0x3FB3] =	sst s6  }
0xf: {  	[smem:$0x3FB4] =	sst s7  }
0x10: {  	[smem:$0x3FB5] =	sst s8  }
0x11: {  	[smem:$0x3FB6] =	sst s9;
	s0 =	simm.s32 @!p0 $0x0  }
0x12: {  	s1 =	sld [smem:$0x3F9C];
	s0 =	simm.s32 @p0 $0x1  }
0x13: {  	[smem:$0x3FB7] =	sst s0;
	s0 =	simm.s32 @!p1 $0x0  }
0x14: {  	s2 =	sld [smem:$0x3F9B];
	s0 =	simm.s32 @p1 $0x1  }
0x15: {  	[smem:$0x3FB8] =	sst s0;
	s0 =	simm.s32 @!p2 $0x0  }
0x16: {  	s3 =	sld [smem:$0x3FDB];
	s0 =	simm.s32 @p2 $0x1  }
0x17: {  	s4 =	simm.s32 $0x1BF5;
	[smem:$0x3FBA] =	sst s0  }
0x18: {  	s0 =	sld [smem:$0x3F9D];
	_ =	swait.ge [sflag:s4], $0x0  }
0x19: {  	s7 =	sld [smem:$0x3F9E]  }
0x1a: {  	s8 =	sadd.s32 $0xFFFFE003, lr  }
0x1b: {  	s9 =	sadd.s32 $0xFFFFFEF7, lr;
	s5 =	simm.s32 $0xFFFFFFFF;
	p2 =	slt.u32 s8, $0xFFFFF086  }
0x1c: {  	p1 =	slt.u32 s9, $0xF7A;
	s5 =	simm.s32 @!p2 $0x0  }
0x1d: {  	s5 =	simm.s32 @p1 $0x1;
	p0 =	seq.s32 s7, s2  }
0x1e: {  	s7 =	smul.u32 @!p0 $0xF7A, s2;
	p2 =	seq.s32 @!p0 s5, $0x0  }
0x1f: {  	s9 =	smul.u32 $0xF7A, s1;
	s8 =	simm.s32 @!p0 $0x1BF5;
	p2 =	por !p2, p0  }
0x20: {  	[sflag:s8] =	ssyncset.s32 @!p0 $0xFFFFF086;
	s6 =	sadd.s32 @!p0 s3, s7;
	s7 =	simm.s32 @!p0 $0x108  }
0x21: {  	s3 =	sadd.s32 s3, s9;
	s6 =	sadd.s32 @!p0 $0x88, s6;
	s7 =	simm.s32 @p2 $0x1082  }
0x22: {  	[simem:s7], [sflag:s8] =	dma.local @!p0 [hbm:s6], $0xF7A  }
0x23: {  	s9 =	sor.u32 $0xD0000000, s2;
	s6 =	simm.s32 $0x108;
	_ =	swait.ge @!p0 [sflag:s8], $0x0  }
0x24: {  	s3 =	sadd.s32 $0x88, s3;
	s6 =	simm.s32 @!p1 $0x1082;
	[sflag:s4] =	ssyncset.s32 $0xFFFFF086  }
0x25: {  	[simem:s6], [sflag:s4] =	dma.local [hbm:s3], $0xF7A  }
0x26: {  	[smem:$0x3F9E] =	sst s1;
	(tag) =	ssettag s2;
	_ =	strace s9  }
0x27: {  	s1 =	sld [smem:$0x3FAE]  }
0x28: {  	s2 =	sld [smem:$0x3FAF]  }
0x29: {  	s4 =	sld [smem:$0x3FB1]  }
0x2a: {  	p0 =	seq.s32 s5, $0x0;
	s5 =	sld [smem:$0x3FB2]  }
0x2b: {  	s6 =	sld [smem:$0x3FB3]  }
0x2c: {  	s7 =	sld [smem:$0x3FB4]  }
0x2d: {  	s3 =	simm.s32 $0x108;
	s8 =	sld [smem:$0x3FB5]  }
0x2e: {  	s3 =	simm.s32 @!p0 $0x1082;
	s9 =	sld [smem:$0x3FB6]  }
0x2f: {  	lr =	sadd.s32 s0, s3;
	s0 =	sld [smem:$0x3FAD]  }
0x30: {  	s3 =	sld [smem:$0x3FB0]  }
0x31: {  	[smem:$0x3FB9] =	sst s10  }
0x32: {  	s10 =	sld [smem:$0x3FB7];
	_ =	sdelay $0x3  }
0x33: {  	p0 =	seq.s32 s10, $0x1;
	s10 =	sld [smem:$0x3FB9];
	_ =	sdelay $0x3  }
0x34: {  	[smem:$0x3FB9] =	sst s10  }
0x35: {  	s10 =	sld [smem:$0x3FB8];
	_ =	sdelay $0x3  }
0x36: {  	p1 =	seq.s32 s10, $0x1;
	s10 =	sld [smem:$0x3FB9];
	_ =	sdelay $0x3  }
0x37: {  	[smem:$0x3FB9] =	sst s10  }
0x38: {  	s10 =	sld [smem:$0x3FBA]  }
0x39: {  	_ = 	snop;
	(pc) =	sbr.ind lr, $3  }
0x3a: {  	_ = 	snop  }
0x3b: {  	_ = 	snop  }
0x3c: {  	p2 =	seq.s32 s10, $0x1;
	s10 =	sld [smem:$0x3FB9]  }
0x3d: {  	_ =	shalt  }
0x3e: {  	_ =	shalt  }
0x3f: {  	_ =	shalt  }
0x40: {  	_ =	shalt  }
0x41: {  	_ =	shalt  }
0x42: {  	_ =	shalt  }
0x43: {  	_ =	shalt  }
0x44: {  	_ =	shalt  }
0x45: {  	_ =	shalt  }
0x46: {  	_ =	shalt  }
0x47: {  	_ =	shalt  }
0x48: {  	_ =	shalt  }
0x49: {  	_ =	shalt  }
0x4a: {  	_ =	shalt  }
0x4b: {  	_ =	shalt  }
0x4c: {  	_ =	shalt  }
0x4d: {  	_ =	shalt  }
0x4e: {  	_ =	shalt  }
0x4f: {  	_ =	shalt  }
0x50: {  	_ =	shalt  }
0x51: {  	_ =	shalt  }
0x52: {  	_ =	shalt  }
0x53: {  	_ =	shalt  }
0x54: {  	_ =	shalt  }
0x55: {  	_ =	shalt  }
0x56: {  	_ =	shalt  }
0x57: {  	_ =	shalt  }
0x58: {  	_ =	shalt  }
0x59: {  	_ =	shalt  }
0x5a: {  	_ =	shalt  }
0x5b: {  	_ =	shalt  }
0x5c: {  	_ =	shalt  }
0x5d: {  	_ =	shalt  }
0x5e: {  	_ =	shalt  }
0x5f: {  	_ =	shalt  }
0x60: {  	_ =	shalt  }
0x61: {  	_ =	shalt  }
0x62: {  	_ =	shalt  }
0x63: {  	_ =	shalt  }
0x64: {  	_ =	shalt  }
0x65: {  	_ =	shalt  }
0x66: {  	_ =	shalt  }
0x67: {  	_ =	shalt  }
0x68: {  	_ =	shalt  }
0x69: {  	_ =	shalt  }
0x6a: {  	_ =	shalt  }
0x6b: {  	_ =	shalt  }
0x6c: {  	_ =	shalt  }
0x6d: {  	_ =	shalt  }
0x6e: {  	_ =	shalt  }
0x6f: {  	_ =	shalt  }
0x70: {  	_ =	shalt  }
0x71: {  	_ =	shalt  }
0x72: {  	_ =	shalt  }
0x73: {  	_ =	shalt  }
0x74: {  	_ =	shalt  }
0x75: {  	_ =	shalt  }
0x76: {  	_ =	shalt  }
0x77: {  	_ =	shalt  }
0x78: {  	_ =	shalt  }
0x79: {  	_ =	shalt  }
0x7a: {  	_ =	shalt  }
0x7b: {  	_ =	shalt  }
0x7c: {  	_ =	shalt  }
0x7d: {  	_ =	shalt  }
0x7e: {  	_ =	shalt  }
0x7f: {  	_ =	shalt  }
0x80: {  	_ =	shalt  }
0x81: {  	_ =	shalt  }
0x82: {  	_ =	shalt  }
0x83: {  	_ =	shalt  }
0x84: {  	_ =	shalt  }
0x85: {  	_ =	shalt  }
0x86: {  	_ =	shalt  }
0x87: {  	_ =	shalt  }
.Lfunc_end0:
.L_simem_size_0:
called_computation.2_lowered:
.L_overlay_start_0:
0x88: {  	s2 =	sld [smem:$0x3FD9]  }
0x89: {  	s3 =	sld [smem:$0x3FFE];
	_ =	sdelay $0x1  }
0x8a: {  	s1 =	srdreg.scid  }
0x8b: {  	s0 =	sand.u32 $0x1, s1  }
0x8c: {  	s17 =	sshll.u32 s0, $0xA;
	s2 =	sadd.s32 s3, s2  }
0x8d: {  	s2 =	sadd.s32 s2, s17  }
0x8e: {  	[smem:$0x3FC5] =	sst s2  }
0x8f: {  	_ = 	snop  }
0x90: {  	s2 =	sld [smem:$0x3FD0];
	(tm) =	ssettm $0x1  }
0x91: {  	s18 =	sld [smem:$0x3FFB];
	_ =	sdelay $0x3  }
0x92: {  	_ =	strace s18  }
0x93: {  	s3 =	sld [smem:$0x3FFC];
	_ =	sdelay $0x3  }
0x94: {  	_ =	strace s3  }
0x95: {  	s3 =	sld [smem:$0x3FFD];
	_ =	sdelay $0x3  }
0x96: {  	_ =	strace s3  }
0x97: {  	_ =	strace $0x8FFFFFFF  }
0x98: {  	s19 =	sld [smem:$0x3FDB];
	_ =	sdelay $0x1  }
0x99: {  	s4 =	simm.s32 $_scs_section_size  }
0x9a: {  	s5 =	simm.s32 $_size__tile_overlayer_lowered;
	s6 =	simm.s32 $_tile_overlayer_lowered  }
0x9b: {  	s22 =	simm.s32 $0x1BFF;
	s21 =	sshll.u32 s6, $0x1;
	s3 =	sadd.s32 s4, s19  }
0x9c: {  	s7 =	simm.s32 $0x0;
	s20 =	sshll.u32 s5, $0x1;
	s5 =	sadd.s32 s21, s3  }
0x9d: {  	[timem:s7], [sflag:s22] =	dma.local [hbm:s5], s20  }
0x9e: {  	_ =	swait.ge [sflag:s22], s20  }
0x9f: {  	s4 =	ssub.s32 $0x0, s20;
	[sflag:s22] =	ssyncset.done $0x0  }
0xa0: {  	[sflag:s22] =	ssyncadd.s32 s4;
	_ =	sdelay $0x1  }
0xa1: {  	s23 =	simm.s32 $0x1B8B  }
0xa2: {  	_ =	swait.ge [sflag:s23], $0x1  }
0xa3: {  	[sflag:s23] =	ssyncset.done $0x0  }
0xa4: {  	s25 =	simm.s32 $0x1B8E;
	s24 =	sld [smem:$0x3FFE];
	[sflag:s23] =	ssyncadd.s32 $0xFFFFFFFF  }
0xa5: {  	s26 =	simm.s32 $execute0_lowered;
	[smem:$0x3FD2] =	sst s25  }
0xa6: {  	s5 =	sshll.u32 s26, $0x1;
	_ =	strace $0x80000049;
	[dreg:$0x1] =	wrdreg $0xFFFFFFFF  }
0xa7: {  	s28 =	simm.s32 $_size_execute0_lowered;
	s3 =	sadd.s32 s3, s5;
	[dreg:$0x0] =	wrdreg $0x0  }
0xa8: {  	s5 =	sshll.u32 s28, $0x1;
	[dreg:$0x2] =	wrdreg s3  }
0xa9: {  	[dreg:$0x3] =	wrdreg s5  }
0xaa: {  	[dreg:$0x4] =	wrdreg $0xC0  }
0xab: {  	_ =	task [dreg:s7], $0x5FFFF  }
0xac: {  	[dreg:$0x1] =	wrdreg $0xFFFFFFFF  }
0xad: {  	[dreg:$0x0] =	wrdreg $0x60  }
0xae: {  	[dreg:$0x2] =	wrdreg s2  }
0xaf: {  	[dreg:$0x3] =	wrdreg s24  }
0xb0: {  	[dreg:$0x4] =	wrdreg $0x9  }
0xb1: {  	_ =	task.clear_ibuf [dreg:s7], $0x5FFFF;
	_ =	strace $0x90000049  }
0xb2: {  	s29 =	simm.s32 $0x9;
	_ =	strace $0x8000004B  }
0xb3: {  	_ =	swait.ge [sflag:s29], $0x1  }
0xb4: {  	[sflag:s29] =	ssyncadd.s32 $0xFFFFFFFF  }
0xb5: {  	_ =	strace $0x9000004B  }
0xb6: {  	_ =	sfence  }
0xb7: {  	s30 =	sld [smem:$0x0];
	_ =	sdelay $0x2  }
0xb8: {  	s31 =	sshll.u32 s1, $0xD;
	s1 =	sshrl.u32 s1, $0x2  }
0xb9: {  	s3 =	sand.u32 $0x4000, s31;
	s1 =	sadd.s32 s1, s30  }
0xba: {  	s0 =	sor.u32 s3, s0;
	s1 =	sshll.u32 s1, $0x11  }
0xbb: {  	s0 =	sor.u32 s1, s0  }
0xbc: {  	s0 =	sadd.s32 $0x8F2B, s0  }
0xbd: {  	[sflag:s0] =	ssyncadd.remote.s32 $0x1  }
0xbe: {  	_ =	sfence.sel $0xFFFF  }
0xbf: {  	[dreg:$0x0] =	wrdreg $0xFFFFFFFF;
	(pc) =	sbr.abs _section_cstart, $3  }
0xc0: {  	[dreg:$0x1] =	wrdreg $0xFFFFFFFF  }
0xc1: {  	_ =	task.clear_ibuf [dreg:s7], $0x2FFFF;
	_ =	strace $0x9FFFFFFF  }
0xc2: {  	(tm) =	ssettm $0x7FFFFFFF  }
0xc3: {  	_ =	shalt  }
tec
execute0_lowered:
.L_overlay_start_1:
0x0: {  	(tag) =	ssettag $0x1  }
0x1: {  	s0 =	rddreg [dreg:$0x0]  }
0x2: {  	s1 =	rddreg [dreg:$0x1];
	s2 =	simm.s32 $0x0;
	s3 =	srdreg.scid  }
0x3: {  	s5 =	stileid.u32;
	s9 =	simm.s32 $0x9;
	s11 =	simm.s32 $0x80  }
0x4: {  	s12 =	simm.s32 $0x9600;
	s13 =	simm.s32 $0x48;
	s16 =	simm.s32 $0xC800  }
0x5: {  	s20 =	simm.s32 $0xFA00;
	s22 =	simm.s32 $0x11A00;
	s24 =	simm.s32 $0x12C00  }
0x6: {  	s28 =	simm.s32 $0x1;
	s29 =	simm.s32 $0x40;
	s30 =	simm.s32 $0x2  }
0x7: {  	s31 =	simm.s32 $0x3;
	s10 =	simm.s32 $0x6;
	s14 =	simm.s32 $0x7  }
0x8: {  	s15 =	simm.s32 $0x8;
	s17 =	simm.s32 $0x0;
	[smem:$0x7FF] =	sst s2  }
0x9: {  	s4 =	sand.u32 $0x1, s3;
	s3 =	sadd.s32 $0xF43C00, s1;
	s25 =	sadd.s32 $0xF43400, s1  }
.Ltmp0:
0xa: {  	s5 =	sshll.u32 s5, $0x1;
	_ =	strace $0x8000004A;
	(pc) =	sbr.rel .LBB2_1-.Ltmp0, $4  }
0xb: {  	s6 =	ssub.s32 $0x2, s4;
	s4 =	sor.u32 s4, s5;
	[dreg:$0x3] =	wrdreg s25  }
0xc: {  	s5 =	sadd.s32 $0x1000, s1;
	s7 =	sshrl.u32 s6, $0x1;
	s8 =	smul.u32 $0xC80, s4  }
0xd: {  	s1 =	simm.s32 $0x5;
	s26 =	ssub.s32 s6, s7;
	s6 =	sshll.u32 s4, $0x7  }
0xe: {  	s7 =	sadd.s32 s0, s8;
	s8 =	smax.u32 s26, $0x1;
	s0 =	simm.s32 $0x4  }
.LBB2_12:
0xf: {  	_ =	swait.ge [sflag:s1], $0x3200  }
0x10: {  	[sflag:s1] =	ssyncset.done $0x0  }
0x11: {  	[sflag:s1] =	ssyncadd.s32 $0xFFFFCE00  }
0x12: {  	_ =	swait.ge [sflag:s10], $0x3200  }
0x13: {  	[sflag:s10] =	ssyncset.done $0x0  }
0x14: {  	s17 =	sadd.s32 $0x1, s17;
	[sflag:s10] =	ssyncadd.s32 $0xFFFFCE00  }
0x15: {  	p0 =	sne.s32 s17, s8;
	_ =	swait.ge [sflag:s14], $0x3200  }
.Ltmp1:
0x16: {  	[sflag:s14] =	ssyncset.done $0x0;
	(pc) =	sbr.rel @!p0 .LBB2_13-.Ltmp1, $4  }
0x17: {  	[sflag:s14] =	ssyncadd.s32 $0xFFFFCE00  }
0x18: {  	_ =	swait.ge [sflag:s15], $0x3200  }
0x19: {  	[sflag:s15] =	ssyncset.done $0x0  }
0x1a: {  	[sflag:s15] =	ssyncadd.s32 $0xFFFFCE00  }
.LBB2_1:
0x1b: {  	[tilespmem:s2], [sflag:$0x9] =	stream.linear.gather [hbm4b:s7+s2], $0x6400, $0x38;
	[tilespmem:$0x15E00] =	vst v63  }
0x1c: {  	_ =	swait.ge [sflag:s9], $0x6400  }
0x1d: {  	[sflag:s9] =	ssyncset.done $0x0  }
0x1e: {  	s18 =	simm.s32 $0x6400;
	s4 =	rddreg [dreg:$0x3];
	[sflag:s9] =	ssyncadd.s32 $0xFFFF9C00  }
0x1f: {  	[tilespmem:s18], [sflag:$0x9] =	stream.linear.gather [hbm4b:s4+s2], $0x3200, $0x38;
	[tilespmem:$0x15E00] =	vst v63  }
0x20: {  	_ =	swait.ge [sflag:s9], $0x3200  }
0x21: {  	[sflag:s9] =	ssyncset.done $0x0  }
0x22: {  	[sflag:s9] =	ssyncadd.s32 $0xFFFFCE00  }
0x23: {  	[tilespmem:s12], [sflag:$0x1] =	stream.indirect.gather [hbm4b:s3+s11], $0x40, s2, s11, $0xb8;
	[tilespmem:$0x15E00] =	vst v63  }
0x24: {  	s21 =	simm.s32 $0xB600  }
0x25: {  	[tilespmem:s21], [sflag:$0x1] =	stream.indirect.gather [hbm4b:s3+s13], $0x40, s11, s13, $0xb8;
	[tilespmem:$0x15E00] =	vst v63  }
0x26: {  	s23 =	simm.s32 $0xC8  }
0x27: {  	[tilespmem:s16], [sflag:$0x2] =	stream.indirect.gather [hbm4b:s3+s11], $0x40, s23, s11, $0xb8;
	[tilespmem:$0x15E00] =	vst v63  }
0x28: {  	s25 =	simm.s32 $0x148;
	s26 =	simm.s32 $0xE800  }
0x29: {  	[tilespmem:s26], [sflag:$0x2] =	stream.indirect.gather [hbm4b:s3+s13], $0x40, s25, s13, $0xb8;
	[tilespmem:$0x15E00] =	vst v63  }
0x2a: {  	s19 =	simm.s32 $0x190  }
0x2b: {  	[tilespmem:s20], [sflag:$0x3] =	stream.indirect.gather [hbm4b:s3+s11], $0x40, s19, s11, $0xb8;
	[tilespmem:$0x15E00] =	vst v63  }
0x2c: {  	s21 =	simm.s32 $0x210  }
0x2d: {  	[tilespmem:s22], [sflag:$0x3] =	stream.indirect.gather [hbm4b:s3+s13], $0x40, s21, s13, $0xb8;
	[tilespmem:$0x15E00] =	vst v63  }
0x2e: {  	s23 =	simm.s32 $0x258  }
0x2f: {  	[tilespmem:s24], [sflag:$0x4] =	stream.indirect.gather [hbm4b:s3+s11], $0x40, s23, s11, $0xb8;
	[tilespmem:$0x15E00] =	vst v63  }
0x30: {  	s18 =	simm.s32 $0x0;
	s25 =	simm.s32 $0x2D8;
	s26 =	simm.s32 $0x14C00  }
0x31: {  	[tilespmem:s26], [sflag:$0x4] =	stream.indirect.gather [hbm4b:s3+s13], $0x40, s25, s13, $0xb8;
	[tilespmem:$0x15E00] =	vst v63  }
.LBB2_2:
0x32: {  	_ =	swait.ge [sflag:s28], $0x2000  }
0x33: {  	[sflag:s28] =	ssyncset.done $0x0  }
0x34: {  	[sflag:s28] =	ssyncadd.s32 $0xFFFFE000  }
0x35: {  	_ =	swait.ge [sflag:s28], $0x1200  }
0x36: {  	[sflag:s28] =	ssyncset.done $0x0  }
0x37: {  	s19 =	simm.s32 $0x0;
	[sflag:s28] =	ssyncadd.s32 $0xFFFFEE00  }
0x38: {  	v0 =	vld [tilespmem:s19+$0x64F0]  }
0x39: {  	v1 =	vld [tilespmem:s19+$0x6400]  }
0x3a: {  	v2 =	vld [tilespmem:s19+$0x6410]  }
0x3b: {  	v3 =	vld [tilespmem:s19+$0x6420]  }
0x3c: {  	v4 =	vld [tilespmem:s19+$0x6430]  }
0x3d: {  	v5 =	vld [tilespmem:s19+$0x6440]  }
0x3e: {  	v6 =	vld [tilespmem:s19+$0x6450]  }
0x3f: {  	v7 =	vld [tilespmem:s19+$0x6460]  }
0x40: {  	v8 =	vld [tilespmem:s19+$0x6470]  }
0x41: {  	v9 =	vld [tilespmem:s19+$0x6480]  }
0x42: {  	v10 =	vld [tilespmem:s19+$0x6490]  }
0x43: {  	v11 =	vld [tilespmem:s19+$0x64A0]  }
0x44: {  	v12 =	vld [tilespmem:s19+$0x64B0]  }
0x45: {  	v13 =	vld [tilespmem:s19+$0x64C0]  }
0x46: {  	v14 =	vld [tilespmem:s19+$0x64D0]  }
0x47: {  	[tilespmem:s19+$0x96F0] =	vst.add.f32.msk $0xffff, v0  }
0x48: {  	v0 =	vld [tilespmem:s19+$0x64E0]  }
0x49: {  	[tilespmem:s19+$0x9600] =	vst.add.f32.msk $0xffff, v1  }
0x4a: {  	[tilespmem:s19+$0x9610] =	vst.add.f32.msk $0xffff, v2  }
0x4b: {  	[tilespmem:s19+$0x9620] =	vst.add.f32.msk $0xffff, v3  }
0x4c: {  	[tilespmem:s19+$0x9630] =	vst.add.f32.msk $0xffff, v4  }
0x4d: {  	[tilespmem:s19+$0x9640] =	vst.add.f32.msk $0xffff, v5  }
0x4e: {  	[tilespmem:s19+$0x9650] =	vst.add.f32.msk $0xffff, v6  }
0x4f: {  	[tilespmem:s19+$0x9660] =	vst.add.f32.msk $0xffff, v7  }
0x50: {  	[tilespmem:s19+$0x9670] =	vst.add.f32.msk $0xffff, v8  }
0x51: {  	[tilespmem:s19+$0x9680] =	vst.add.f32.msk $0xffff, v9  }
0x52: {  	[tilespmem:s19+$0x9690] =	vst.add.f32.msk $0xffff, v10  }
0x53: {  	[tilespmem:s19+$0x96A0] =	vst.add.f32.msk $0xffff, v11  }
0x54: {  	[tilespmem:s19+$0x96B0] =	vst.add.f32.msk $0xffff, v12  }
0x55: {  	[tilespmem:s19+$0x96C0] =	vst.add.f32.msk $0xffff, v13  }
0x56: {  	s21 =	simm.s32 $0x0;
	s23 =	simm.s32 $0x400;
	[tilespmem:s19+$0x96D0] =	vst.add.f32.msk $0xffff, v14  }
.LBB2_3:
0x57: {  	s21 =	sadd.s32 $0x4, s21;
	[tilespmem:s19+$0x96E0] =	vst.add.f32.msk $0xffff, v0;
	s19 =	sshra.s32 s23, $0x2  }
0x58: {  	v0 =	vld [tilespmem:s19+$0x64F0];
	p0 =	slt.u32 s21, $0xC4  }
0x59: {  	v1 =	vld [tilespmem:s19+$0x6400]  }
0x5a: {  	v2 =	vld [tilespmem:s19+$0x6410]  }
0x5b: {  	v3 =	vld [tilespmem:s19+$0x6420]  }
0x5c: {  	v4 =	vld [tilespmem:s19+$0x6430]  }
0x5d: {  	[tilespmem:s19+$0x96F0] =	vst.add.f32.msk $0xffff, v0  }
0x5e: {  	v5 =	vld [tilespmem:s19+$0x6440]  }
0x5f: {  	v6 =	vld [tilespmem:s19+$0x6450]  }
0x60: {  	v7 =	vld [tilespmem:s19+$0x6460]  }
0x61: {  	v8 =	vld [tilespmem:s19+$0x6470]  }
0x62: {  	v9 =	vld [tilespmem:s19+$0x6480]  }
0x63: {  	v10 =	vld [tilespmem:s19+$0x6490]  }
0x64: {  	v11 =	vld [tilespmem:s19+$0x64A0]  }
0x65: {  	v12 =	vld [tilespmem:s19+$0x64B0]  }
0x66: {  	v13 =	vld [tilespmem:s19+$0x64C0]  }
0x67: {  	v14 =	vld [tilespmem:s19+$0x64D0]  }
0x68: {  	v0 =	vld [tilespmem:s19+$0x64E0]  }
0x69: {  	[tilespmem:s19+$0x9600] =	vst.add.f32.msk $0xffff, v1  }
0x6a: {  	[tilespmem:s19+$0x9610] =	vst.add.f32.msk $0xffff, v2  }
0x6b: {  	[tilespmem:s19+$0x9620] =	vst.add.f32.msk $0xffff, v3  }
0x6c: {  	[tilespmem:s19+$0x9630] =	vst.add.f32.msk $0xffff, v4  }
0x6d: {  	[tilespmem:s19+$0x9640] =	vst.add.f32.msk $0xffff, v5  }
0x6e: {  	[tilespmem:s19+$0x9650] =	vst.add.f32.msk $0xffff, v6  }
0x6f: {  	[tilespmem:s19+$0x9660] =	vst.add.f32.msk $0xffff, v7  }
0x70: {  	[tilespmem:s19+$0x9670] =	vst.add.f32.msk $0xffff, v8  }
0x71: {  	[tilespmem:s19+$0x9680] =	vst.add.f32.msk $0xffff, v9  }
.Ltmp2:
0x72: {  	[tilespmem:s19+$0x9690] =	vst.add.f32.msk $0xffff, v10;
	(pc) =	sbr.rel @p0 .LBB2_3-.Ltmp2, $4  }
0x73: {  	[tilespmem:s19+$0x96A0] =	vst.add.f32.msk $0xffff, v11  }
0x74: {  	[tilespmem:s19+$0x96B0] =	vst.add.f32.msk $0xffff, v12  }
0x75: {  	[tilespmem:s19+$0x96C0] =	vst.add.f32.msk $0xffff, v13  }
0x76: {  	s23 =	sadd.s32 $0x400, s23;
	[tilespmem:s19+$0x96D0] =	vst.add.f32.msk $0xffff, v14  }
0x77: {  	s21 =	sshll.u32 s18, $0x2  }
0x78: {  	s4 =	sadd.s32 s6, s21  }
0x79: {  	s4 =	smul.u32 $0xC80, s4;
	_ =	sdelay $0x1  }
0x7a: {  	[tilespmem:s19+$0x96E0] =	vst.add.f32.msk $0xffff, v0;
	p0 =	seq.s32 s18, $0x0;
	s4 =	sadd.s32 s5, s4  }
0x7b: {  	[hbm4b:s4+s29] =	stream.strided.scatter [tilespmem:s12], [sflag:$0x5], $0x3200, s11, s29, $0x38;
	[tilespmem:$0x15E00] =	vst v63  }
0x7c: {  	s19 =	sshllo.u32 s18, $0x2;
	s4 =	simm.s32 @!p0 $0x8  }
0x7d: {  	s23 =	smul.u32 @!p0 $0x320, s19;
	_ =	swait.ge @!p0 [sflag:s4], $0x3200  }
0x7e: {  	s25 =	simm.s32 @!p0 $0x12C00;
	[sflag:s4] =	ssyncset.done @!p0 $0x0  }
0x7f: {  	[sflag:s4] =	ssyncadd.s32 @!p0 $0xFFFFCE00;
	s4 =	sshra.s32 @!p0 s23, $0x2;
	s23 =	simm.s32 @!p0 $0x80  }
0x80: {  	[tilespmem:s25], [sflag:$0x4] =	stream.indirect.gather @!p0 [hbm4b:s3+s23], $0x40, s4, s23, $0xb8;
	[tilespmem:$0x15E00] =	vst v63  }
0x81: {  	s4 =	sadd.s32 @!p0 $0x80, s4;
	s23 =	simm.s32 @!p0 $0x48;
	s25 =	simm.s32 @!p0 $0x14C00  }
0x82: {  	[tilespmem:s25], [sflag:$0x4] =	stream.indirect.gather @!p0 [hbm4b:s3+s23], $0x40, s4, s23, $0xb8;
	[tilespmem:$0x15E00] =	vst v63  }
0x83: {  	_ =	swait.ge [sflag:s30], $0x2000  }
0x84: {  	[sflag:s30] =	ssyncset.done $0x0  }
0x85: {  	[sflag:s30] =	ssyncadd.s32 $0xFFFFE000  }
0x86: {  	_ =	swait.ge [sflag:s30], $0x1200  }
0x87: {  	[sflag:s30] =	ssyncset.done $0x0  }
0x88: {  	s23 =	simm.s32 $0x0;
	[sflag:s30] =	ssyncadd.s32 $0xFFFFEE00  }
0x89: {  	v0 =	vld [tilespmem:s23+$0x64F0]  }
0x8a: {  	v1 =	vld [tilespmem:s23+$0x6400]  }
0x8b: {  	v2 =	vld [tilespmem:s23+$0x6410]  }
0x8c: {  	v3 =	vld [tilespmem:s23+$0x6420]  }
0x8d: {  	v4 =	vld [tilespmem:s23+$0x6430]  }
0x8e: {  	v5 =	vld [tilespmem:s23+$0x6440]  }
0x8f: {  	v6 =	vld [tilespmem:s23+$0x6450]  }
0x90: {  	v7 =	vld [tilespmem:s23+$0x6460]  }
0x91: {  	v8 =	vld [tilespmem:s23+$0x6470]  }
0x92: {  	v9 =	vld [tilespmem:s23+$0x6480]  }
0x93: {  	v10 =	vld [tilespmem:s23+$0x6490]  }
0x94: {  	v11 =	vld [tilespmem:s23+$0x64A0]  }
0x95: {  	v12 =	vld [tilespmem:s23+$0x64B0]  }
0x96: {  	v13 =	vld [tilespmem:s23+$0x64C0]  }
0x97: {  	v14 =	vld [tilespmem:s23+$0x64D0]  }
0x98: {  	[tilespmem:s23+$0xC8F0] =	vst.add.f32.msk $0xffff, v0  }
0x99: {  	v0 =	vld [tilespmem:s23+$0x64E0]  }
0x9a: {  	[tilespmem:s23+$0xC800] =	vst.add.f32.msk $0xffff, v1  }
0x9b: {  	[tilespmem:s23+$0xC810] =	vst.add.f32.msk $0xffff, v2  }
0x9c: {  	[tilespmem:s23+$0xC820] =	vst.add.f32.msk $0xffff, v3  }
0x9d: {  	[tilespmem:s23+$0xC830] =	vst.add.f32.msk $0xffff, v4  }
0x9e: {  	[tilespmem:s23+$0xC840] =	vst.add.f32.msk $0xffff, v5  }
0x9f: {  	[tilespmem:s23+$0xC850] =	vst.add.f32.msk $0xffff, v6  }
0xa0: {  	[tilespmem:s23+$0xC860] =	vst.add.f32.msk $0xffff, v7  }
0xa1: {  	[tilespmem:s23+$0xC870] =	vst.add.f32.msk $0xffff, v8  }
0xa2: {  	[tilespmem:s23+$0xC880] =	vst.add.f32.msk $0xffff, v9  }
0xa3: {  	[tilespmem:s23+$0xC890] =	vst.add.f32.msk $0xffff, v10  }
0xa4: {  	[tilespmem:s23+$0xC8A0] =	vst.add.f32.msk $0xffff, v11  }
0xa5: {  	[tilespmem:s23+$0xC8B0] =	vst.add.f32.msk $0xffff, v12  }
0xa6: {  	[tilespmem:s23+$0xC8C0] =	vst.add.f32.msk $0xffff, v13  }
0xa7: {  	s26 =	simm.s32 $0x400;
	s25 =	simm.s32 $0x0;
	[tilespmem:s23+$0xC8D0] =	vst.add.f32.msk $0xffff, v14  }
.LBB2_5:
0xa8: {  	s25 =	sadd.s32 $0x4, s25;
	[tilespmem:s23+$0xC8E0] =	vst.add.f32.msk $0xffff, v0;
	s23 =	sshra.s32 s26, $0x2  }
0xa9: {  	v0 =	vld [tilespmem:s23+$0x64F0];
	p0 =	slt.u32 s25, $0xC4  }
0xaa: {  	v1 =	vld [tilespmem:s23+$0x6400]  }
0xab: {  	v2 =	vld [tilespmem:s23+$0x6410]  }
0xac: {  	v3 =	vld [tilespmem:s23+$0x6420]  }
0xad: {  	v4 =	vld [tilespmem:s23+$0x6430]  }
0xae: {  	[tilespmem:s23+$0xC8F0] =	vst.add.f32.msk $0xffff, v0  }
0xaf: {  	v5 =	vld [tilespmem:s23+$0x6440]  }
0xb0: {  	v6 =	vld [tilespmem:s23+$0x6450]  }
0xb1: {  	v7 =	vld [tilespmem:s23+$0x6460]  }
0xb2: {  	v8 =	vld [tilespmem:s23+$0x6470]  }
0xb3: {  	v9 =	vld [tilespmem:s23+$0x6480]  }
0xb4: {  	v10 =	vld [tilespmem:s23+$0x6490]  }
0xb5: {  	v11 =	vld [tilespmem:s23+$0x64A0]  }
0xb6: {  	v12 =	vld [tilespmem:s23+$0x64B0]  }
0xb7: {  	v13 =	vld [tilespmem:s23+$0x64C0]  }
0xb8: {  	v14 =	vld [tilespmem:s23+$0x64D0]  }
0xb9: {  	v0 =	vld [tilespmem:s23+$0x64E0]  }
0xba: {  	[tilespmem:s23+$0xC800] =	vst.add.f32.msk $0xffff, v1  }
0xbb: {  	[tilespmem:s23+$0xC810] =	vst.add.f32.msk $0xffff, v2  }
0xbc: {  	[tilespmem:s23+$0xC820] =	vst.add.f32.msk $0xffff, v3  }
0xbd: {  	[tilespmem:s23+$0xC830] =	vst.add.f32.msk $0xffff, v4  }
0xbe: {  	[tilespmem:s23+$0xC840] =	vst.add.f32.msk $0xffff, v5  }
0xbf: {  	[tilespmem:s23+$0xC850] =	vst.add.f32.msk $0xffff, v6  }
0xc0: {  	[tilespmem:s23+$0xC860] =	vst.add.f32.msk $0xffff, v7  }
0xc1: {  	[tilespmem:s23+$0xC870] =	vst.add.f32.msk $0xffff, v8  }
0xc2: {  	[tilespmem:s23+$0xC880] =	vst.add.f32.msk $0xffff, v9  }
.Ltmp3:
0xc3: {  	[tilespmem:s23+$0xC890] =	vst.add.f32.msk $0xffff, v10;
	(pc) =	sbr.rel @p0 .LBB2_5-.Ltmp3, $4  }
0xc4: {  	[tilespmem:s23+$0xC8A0] =	vst.add.f32.msk $0xffff, v11  }
0xc5: {  	[tilespmem:s23+$0xC8B0] =	vst.add.f32.msk $0xffff, v12  }
0xc6: {  	[tilespmem:s23+$0xC8C0] =	vst.add.f32.msk $0xffff, v13  }
0xc7: {  	s26 =	sadd.s32 $0x400, s26;
	[tilespmem:s23+$0xC8D0] =	vst.add.f32.msk $0xffff, v14  }
0xc8: {  	s4 =	sadd.s32 s21, s6  }
0xc9: {  	s4 =	smul.u32 $0xC80, s4;
	_ =	sdelay $0x1  }
0xca: {  	s21 =	sadd.s32 s5, s4  }
0xcb: {  	[tilespmem:s23+$0xC8E0] =	vst.add.f32.msk $0xffff, v0;
	p0 =	seq.s32 s18, $0x1F;
	s4 =	sadd.s32 $0xC80, s21  }
0xcc: {  	[hbm4b:s4+s29] =	stream.strided.scatter [tilespmem:s16], [sflag:$0x6], $0x3200, s11, s29, $0x38;
	[tilespmem:$0x15E00] =	vst v63  }
0xcd: {  	s23 =	smul.u32 @!p0 $0xC80, s18;
	s4 =	simm.s32 @!p0 $0x5  }
0xce: {  	_ =	swait.ge @!p0 [sflag:s4], $0x3200  }
0xcf: {  	s25 =	simm.s32 @!p0 $0x80;
	s23 =	sshra.s32 @!p0 s23, $0x2;
	[sflag:s4] =	ssyncset.done @!p0 $0x0  }
0xd0: {  	s26 =	simm.s32 @!p0 $0x9600;
	[sflag:s4] =	ssyncadd.s32 @!p0 $0xFFFFCE00;
	s4 =	sadd.s32 @!p0 $0x320, s23  }
0xd1: {  	[tilespmem:s26], [sflag:$0x1] =	stream.indirect.gather @!p0 [hbm4b:s3+s25], $0x40, s4, s25, $0xb8;
	[tilespmem:$0x15E00] =	vst v63  }
0xd2: {  	s4 =	sadd.s32 @!p0 $0x3A0, s23;
	s25 =	simm.s32 @!p0 $0x48;
	s26 =	simm.s32 @!p0 $0xB600  }
0xd3: {  	[tilespmem:s26], [sflag:$0x1] =	stream.indirect.gather @!p0 [hbm4b:s3+s25], $0x40, s4, s25, $0xb8;
	[tilespmem:$0x15E00] =	vst v63  }
0xd4: {  	_ =	swait.ge [sflag:s31], $0x2000  }
0xd5: {  	[sflag:s31] =	ssyncset.done $0x0  }
0xd6: {  	[sflag:s31] =	ssyncadd.s32 $0xFFFFE000  }
0xd7: {  	_ =	swait.ge [sflag:s31], $0x1200  }
0xd8: {  	[sflag:s31] =	ssyncset.done $0x0  }
0xd9: {  	s25 =	simm.s32 $0x0;
	[sflag:s31] =	ssyncadd.s32 $0xFFFFEE00  }
0xda: {  	v0 =	vld [tilespmem:s25+$0x64F0]  }
0xdb: {  	v1 =	vld [tilespmem:s25+$0x6400]  }
0xdc: {  	v2 =	vld [tilespmem:s25+$0x6410]  }
0xdd: {  	v3 =	vld [tilespmem:s25+$0x6420]  }
0xde: {  	v4 =	vld [tilespmem:s25+$0x6430]  }
0xdf: {  	v5 =	vld [tilespmem:s25+$0x6440]  }
0xe0: {  	v6 =	vld [tilespmem:s25+$0x6450]  }
0xe1: {  	v7 =	vld [tilespmem:s25+$0x6460]  }
0xe2: {  	v8 =	vld [tilespmem:s25+$0x6470]  }
0xe3: {  	v9 =	vld [tilespmem:s25+$0x6480]  }
0xe4: {  	v10 =	vld [tilespmem:s25+$0x6490]  }
0xe5: {  	v11 =	vld [tilespmem:s25+$0x64A0]  }
0xe6: {  	v12 =	vld [tilespmem:s25+$0x64B0]  }
0xe7: {  	v13 =	vld [tilespmem:s25+$0x64C0]  }
0xe8: {  	v14 =	vld [tilespmem:s25+$0x64D0]  }
0xe9: {  	[tilespmem:s25+$0xFAF0] =	vst.add.f32.msk $0xffff, v0  }
0xea: {  	v0 =	vld [tilespmem:s25+$0x64E0]  }
0xeb: {  	[tilespmem:s25+$0xFA00] =	vst.add.f32.msk $0xffff, v1  }
0xec: {  	[tilespmem:s25+$0xFA10] =	vst.add.f32.msk $0xffff, v2  }
0xed: {  	[tilespmem:s25+$0xFA20] =	vst.add.f32.msk $0xffff, v3  }
0xee: {  	[tilespmem:s25+$0xFA30] =	vst.add.f32.msk $0xffff, v4  }
0xef: {  	[tilespmem:s25+$0xFA40] =	vst.add.f32.msk $0xffff, v5  }
0xf0: {  	[tilespmem:s25+$0xFA50] =	vst.add.f32.msk $0xffff, v6  }
0xf1: {  	[tilespmem:s25+$0xFA60] =	vst.add.f32.msk $0xffff, v7  }
0xf2: {  	[tilespmem:s25+$0xFA70] =	vst.add.f32.msk $0xffff, v8  }
0xf3: {  	[tilespmem:s25+$0xFA80] =	vst.add.f32.msk $0xffff, v9  }
0xf4: {  	[tilespmem:s25+$0xFA90] =	vst.add.f32.msk $0xffff, v10  }
0xf5: {  	[tilespmem:s25+$0xFAA0] =	vst.add.f32.msk $0xffff, v11  }
0xf6: {  	[tilespmem:s25+$0xFAB0] =	vst.add.f32.msk $0xffff, v12  }
0xf7: {  	[tilespmem:s25+$0xFAC0] =	vst.add.f32.msk $0xffff, v13  }
0xf8: {  	s26 =	simm.s32 $0x0;
	s4 =	simm.s32 $0x400;
	[tilespmem:s25+$0xFAD0] =	vst.add.f32.msk $0xffff, v14  }
.LBB2_7:
0xf9: {  	s26 =	sadd.s32 $0x4, s26;
	[tilespmem:s25+$0xFAE0] =	vst.add.f32.msk $0xffff, v0;
	s25 =	sshra.s32 s4, $0x2  }
0xfa: {  	v0 =	vld [tilespmem:s25+$0x64F0];
	p1 =	slt.u32 s26, $0xC4  }
0xfb: {  	v1 =	vld [tilespmem:s25+$0x6400]  }
0xfc: {  	v2 =	vld [tilespmem:s25+$0x6410]  }
0xfd: {  	v3 =	vld [tilespmem:s25+$0x6420]  }
0xfe: {  	v4 =	vld [tilespmem:s25+$0x6430]  }
0xff: {  	[tilespmem:s25+$0xFAF0] =	vst.add.f32.msk $0xffff, v0  }
0x100: {  	v5 =	vld [tilespmem:s25+$0x6440]  }
0x101: {  	v6 =	vld [tilespmem:s25+$0x6450]  }
0x102: {  	v7 =	vld [tilespmem:s25+$0x6460]  }
0x103: {  	v8 =	vld [tilespmem:s25+$0x6470]  }
0x104: {  	v9 =	vld [tilespmem:s25+$0x6480]  }
0x105: {  	v10 =	vld [tilespmem:s25+$0x6490]  }
0x106: {  	v11 =	vld [tilespmem:s25+$0x64A0]  }
0x107: {  	v12 =	vld [tilespmem:s25+$0x64B0]  }
0x108: {  	v13 =	vld [tilespmem:s25+$0x64C0]  }
0x109: {  	v14 =	vld [tilespmem:s25+$0x64D0]  }
0x10a: {  	v0 =	vld [tilespmem:s25+$0x64E0]  }
0x10b: {  	[tilespmem:s25+$0xFA00] =	vst.add.f32.msk $0xffff, v1  }
0x10c: {  	[tilespmem:s25+$0xFA10] =	vst.add.f32.msk $0xffff, v2  }
0x10d: {  	[tilespmem:s25+$0xFA20] =	vst.add.f32.msk $0xffff, v3  }
0x10e: {  	[tilespmem:s25+$0xFA30] =	vst.add.f32.msk $0xffff, v4  }
0x10f: {  	[tilespmem:s25+$0xFA40] =	vst.add.f32.msk $0xffff, v5  }
0x110: {  	[tilespmem:s25+$0xFA50] =	vst.add.f32.msk $0xffff, v6  }
0x111: {  	[tilespmem:s25+$0xFA60] =	vst.add.f32.msk $0xffff, v7  }
0x112: {  	[tilespmem:s25+$0xFA70] =	vst.add.f32.msk $0xffff, v8  }
0x113: {  	[tilespmem:s25+$0xFA80] =	vst.add.f32.msk $0xffff, v9  }
.Ltmp4:
0x114: {  	[tilespmem:s25+$0xFA90] =	vst.add.f32.msk $0xffff, v10;
	(pc) =	sbr.rel @p1 .LBB2_7-.Ltmp4, $4  }
0x115: {  	[tilespmem:s25+$0xFAA0] =	vst.add.f32.msk $0xffff, v11  }
0x116: {  	[tilespmem:s25+$0xFAB0] =	vst.add.f32.msk $0xffff, v12  }
0x117: {  	[tilespmem:s25+$0xFAC0] =	vst.add.f32.msk $0xffff, v13  }
0x118: {  	s4 =	sadd.s32 $0x400, s4;
	[tilespmem:s25+$0xFAD0] =	vst.add.f32.msk $0xffff, v14  }
0x119: {  	[tilespmem:s25+$0xFAE0] =	vst.add.f32.msk $0xffff, v0;
	s4 =	sadd.s32 $0x1900, s21  }
0x11a: {  	[hbm4b:s4+s29] =	stream.strided.scatter [tilespmem:s20], [sflag:$0x7], $0x3200, s11, s29, $0x38;
	[tilespmem:$0x15E00] =	vst v63  }
0x11b: {  	s4 =	simm.s32 @!p0 $0x6  }
0x11c: {  	_ =	swait.ge @!p0 [sflag:s4], $0x3200  }
0x11d: {  	s21 =	simm.s32 @!p0 $0x80;
	[sflag:s4] =	ssyncset.done @!p0 $0x0  }
0x11e: {  	s25 =	simm.s32 @!p0 $0xC800;
	[sflag:s4] =	ssyncadd.s32 @!p0 $0xFFFFCE00;
	s4 =	sadd.s32 @!p0 $0x3E8, s23  }
0x11f: {  	[tilespmem:s25], [sflag:$0x2] =	stream.indirect.gather @!p0 [hbm4b:s3+s21], $0x40, s4, s21, $0xb8;
	[tilespmem:$0x15E00] =	vst v63  }
0x120: {  	s4 =	sadd.s32 @!p0 $0x468, s23;
	s21 =	simm.s32 @!p0 $0x48;
	s23 =	simm.s32 @!p0 $0xE800  }
0x121: {  	[tilespmem:s23], [sflag:$0x2] =	stream.indirect.gather @!p0 [hbm4b:s3+s21], $0x40, s4, s21, $0xb8;
	[tilespmem:$0x15E00] =	vst v63  }
0x122: {  	_ =	swait.ge [sflag:s0], $0x2000  }
0x123: {  	[sflag:s0] =	ssyncset.done $0x0  }
0x124: {  	[sflag:s0] =	ssyncadd.s32 $0xFFFFE000  }
0x125: {  	_ =	swait.ge [sflag:s0], $0x1200  }
0x126: {  	[sflag:s0] =	ssyncset.done $0x0  }
0x127: {  	s21 =	simm.s32 $0x0;
	[sflag:s0] =	ssyncadd.s32 $0xFFFFEE00  }
0x128: {  	v0 =	vld [tilespmem:s21+$0x64F0]  }
0x129: {  	v1 =	vld [tilespmem:s21+$0x6400]  }
0x12a: {  	v2 =	vld [tilespmem:s21+$0x6410]  }
0x12b: {  	v3 =	vld [tilespmem:s21+$0x6420]  }
0x12c: {  	v4 =	vld [tilespmem:s21+$0x6430]  }
0x12d: {  	v5 =	vld [tilespmem:s21+$0x6440]  }
0x12e: {  	v6 =	vld [tilespmem:s21+$0x6450]  }
0x12f: {  	v7 =	vld [tilespmem:s21+$0x6460]  }
0x130: {  	v8 =	vld [tilespmem:s21+$0x6470]  }
0x131: {  	v9 =	vld [tilespmem:s21+$0x6480]  }
0x132: {  	v10 =	vld [tilespmem:s21+$0x6490]  }
0x133: {  	v11 =	vld [tilespmem:s21+$0x64A0]  }
0x134: {  	v12 =	vld [tilespmem:s21+$0x64B0]  }
0x135: {  	v13 =	vld [tilespmem:s21+$0x64C0]  }
0x136: {  	v14 =	vld [tilespmem:s21+$0x64D0]  }
0x137: {  	[tilespmem:s21+$0x12CF0] =	vst.add.f32.msk $0xffff, v0  }
0x138: {  	v0 =	vld [tilespmem:s21+$0x64E0]  }
0x139: {  	[tilespmem:s21+$0x12C00] =	vst.add.f32.msk $0xffff, v1  }
0x13a: {  	[tilespmem:s21+$0x12C10] =	vst.add.f32.msk $0xffff, v2  }
0x13b: {  	[tilespmem:s21+$0x12C20] =	vst.add.f32.msk $0xffff, v3  }
0x13c: {  	[tilespmem:s21+$0x12C30] =	vst.add.f32.msk $0xffff, v4  }
0x13d: {  	[tilespmem:s21+$0x12C40] =	vst.add.f32.msk $0xffff, v5  }
0x13e: {  	[tilespmem:s21+$0x12C50] =	vst.add.f32.msk $0xffff, v6  }
0x13f: {  	[tilespmem:s21+$0x12C60] =	vst.add.f32.msk $0xffff, v7  }
0x140: {  	[tilespmem:s21+$0x12C70] =	vst.add.f32.msk $0xffff, v8  }
0x141: {  	[tilespmem:s21+$0x12C80] =	vst.add.f32.msk $0xffff, v9  }
0x142: {  	[tilespmem:s21+$0x12C90] =	vst.add.f32.msk $0xffff, v10  }
0x143: {  	[tilespmem:s21+$0x12CA0] =	vst.add.f32.msk $0xffff, v11  }
0x144: {  	[tilespmem:s21+$0x12CB0] =	vst.add.f32.msk $0xffff, v12  }
0x145: {  	[tilespmem:s21+$0x12CC0] =	vst.add.f32.msk $0xffff, v13  }
0x146: {  	s23 =	simm.s32 $0x0;
	s4 =	simm.s32 $0x400;
	[tilespmem:s21+$0x12CD0] =	vst.add.f32.msk $0xffff, v14  }
.LBB2_9:
0x147: {  	s23 =	sadd.s32 $0x4, s23;
	[tilespmem:s21+$0x12CE0] =	vst.add.f32.msk $0xffff, v0;
	s21 =	sshra.s32 s4, $0x2  }
0x148: {  	v0 =	vld [tilespmem:s21+$0x64F0];
	p1 =	slt.u32 s23, $0xC4  }
0x149: {  	v1 =	vld [tilespmem:s21+$0x6400]  }
0x14a: {  	v2 =	vld [tilespmem:s21+$0x6410]  }
0x14b: {  	v3 =	vld [tilespmem:s21+$0x6420]  }
0x14c: {  	v4 =	vld [tilespmem:s21+$0x6430]  }
0x14d: {  	[tilespmem:s21+$0x12CF0] =	vst.add.f32.msk $0xffff, v0  }
0x14e: {  	v5 =	vld [tilespmem:s21+$0x6440]  }
0x14f: {  	v6 =	vld [tilespmem:s21+$0x6450]  }
0x150: {  	v7 =	vld [tilespmem:s21+$0x6460]  }
0x151: {  	v8 =	vld [tilespmem:s21+$0x6470]  }
0x152: {  	v9 =	vld [tilespmem:s21+$0x6480]  }
0x153: {  	v10 =	vld [tilespmem:s21+$0x6490]  }
0x154: {  	v11 =	vld [tilespmem:s21+$0x64A0]  }
0x155: {  	v12 =	vld [tilespmem:s21+$0x64B0]  }
0x156: {  	v13 =	vld [tilespmem:s21+$0x64C0]  }
0x157: {  	v14 =	vld [tilespmem:s21+$0x64D0]  }
0x158: {  	v0 =	vld [tilespmem:s21+$0x64E0]  }
0x159: {  	[tilespmem:s21+$0x12C00] =	vst.add.f32.msk $0xffff, v1  }
0x15a: {  	[tilespmem:s21+$0x12C10] =	vst.add.f32.msk $0xffff, v2  }
0x15b: {  	[tilespmem:s21+$0x12C20] =	vst.add.f32.msk $0xffff, v3  }
0x15c: {  	[tilespmem:s21+$0x12C30] =	vst.add.f32.msk $0xffff, v4  }
0x15d: {  	[tilespmem:s21+$0x12C40] =	vst.add.f32.msk $0xffff, v5  }
0x15e: {  	[tilespmem:s21+$0x12C50] =	vst.add.f32.msk $0xffff, v6  }
0x15f: {  	[tilespmem:s21+$0x12C60] =	vst.add.f32.msk $0xffff, v7  }
0x160: {  	[tilespmem:s21+$0x12C70] =	vst.add.f32.msk $0xffff, v8  }
0x161: {  	[tilespmem:s21+$0x12C80] =	vst.add.f32.msk $0xffff, v9  }
.Ltmp5:
0x162: {  	[tilespmem:s21+$0x12C90] =	vst.add.f32.msk $0xffff, v10;
	(pc) =	sbr.rel @p1 .LBB2_9-.Ltmp5, $4  }
0x163: {  	[tilespmem:s21+$0x12CA0] =	vst.add.f32.msk $0xffff, v11  }
0x164: {  	[tilespmem:s21+$0x12CB0] =	vst.add.f32.msk $0xffff, v12  }
0x165: {  	[tilespmem:s21+$0x12CC0] =	vst.add.f32.msk $0xffff, v13  }
0x166: {  	s4 =	sadd.s32 $0x400, s4;
	[tilespmem:s21+$0x12CD0] =	vst.add.f32.msk $0xffff, v14  }
.Ltmp6:
0x167: {  	s4 =	sadd.s32 s6, s19;
	(pc) =	sbr.rel @p0 .LBB2_12-.Ltmp6, $3  }
0x168: {  	s4 =	smul.u32 $0xC80, s4;
	_ =	sdelay $0x1  }
0x169: {  	[tilespmem:s21+$0x12CE0] =	vst.add.f32.msk $0xffff, v0;
	s4 =	sadd.s32 s5, s4  }
0x16a: {  	[hbm4b:s4+s29] =	stream.strided.scatter [tilespmem:s24], [sflag:$0x8], $0x3200, s11, s29, $0x38;
	[tilespmem:$0x15E00] =	vst v63  }
0x16b: {  	s4 =	smul.u32 $0xC80, s18  }
0x16c: {  	_ =	swait.ge [sflag:s14], $0x3200  }
.Ltmp7:
0x16d: {  	[sflag:s14] =	ssyncset.done $0x0;
	s4 =	sshra.s32 s4, $0x2;
	(pc) =	sbr.rel .LBB2_2-.Ltmp7, $4  }
0x16e: {  	[sflag:s14] =	ssyncadd.s32 $0xFFFFCE00;
	s19 =	sadd.s32 $0x4B0, s4  }
0x16f: {  	[tilespmem:s20], [sflag:$0x3] =	stream.indirect.gather [hbm4b:s3+s11], $0x40, s19, s11, $0xb8;
	[tilespmem:$0x15E00] =	vst v63  }
0x170: {  	s18 =	sadd.s32 $0x1, s18;
	s4 =	sadd.s32 $0x530, s4  }
0x171: {  	[tilespmem:s22], [sflag:$0x3] =	stream.indirect.gather [hbm4b:s3+s13], $0x40, s4, s13, $0xb8;
	[tilespmem:$0x15E00] =	vst v63  }
.LBB2_13:
0x172: {  	_ =	sfence.sel $0x180000  }
0x173: {  	[bflag:$0x0] =	sbarrier.arrive $0xFFFF  }
0x174: {  	_ =	strace $0x9000004A  }
0x175: {  	s0 =	stileid.u32;
	[bflag:$0x2] =	sbarrier.arrive $0xFFFF  }
0x176: {  	p0 =	sne.s32 s0, $0x0;
	s0 =	rddreg [dreg:$0x2]  }
0x177: {  	s0 =	sadd.s32 @!p0 $0x100000, s0  }
0x178: {  	[sflag:s0] =	ssyncadd.tile.s32 @!p0 $0x1;
	_ =	shalt  }
.Lfunc_end2:
_tile_overlayer_lowered:
.L_overlay_start_2:
0x179: {  	(tag) =	ssettag $0x2  }
0x17a: {  	s0 =	rddreg [dreg:$0x0];
	s2 =	stileid.u32  }
0x17b: {  	s1 =	rddreg [dreg:$0x1];
	p0 =	sne.s32 s2, $0x0  }
0x17c: {  	s3 =	rddreg [dreg:$0x2];
	[bflag:$0x3] =	sbarrier.arrive $0xFFFF;
	s2 =	simm.s32 @!p0 $0x1C09  }
0x17d: {  	[timem:s3], [sflag:s2] =	dma.local @!p0 [hbm:s0], s1  }
0x17e: {  	s0 =	simm.s32 @!p0 $0x9  }
0x17f: {  	_ =	swait.ge @!p0 [sflag:s0], s1  }
0x180: {  	s1 =	ssub.s32 @!p0 $0x0, s1;
	[sflag:s0] =	ssyncset.done @!p0 $0x0  }
0x181: {  	[sflag:s0] =	ssyncadd.s32 @!p0 s1  }
0x182: {  	[bflag:$0x3] =	sbarrier.arrive $0xFFFF  }
0x183: {  	_ =	shalt  }

// kernel: sparse-core-data-format-call.1.cloned.1.call-start
scs
called_computation.1_lowered:
.L_overlay_start_0:
0x0: {  	s2 =	sld [smem:$0x3FD9]  }
0x1: {  	s3 =	sld [smem:$0x3FFE];
	_ =	sdelay $0x1  }
0x2: {  	s1 =	srdreg.scid  }
0x3: {  	s0 =	sand.u32 $0x1, s1  }
0x4: {  	s18 =	sshll.u32 s0, $0xA;
	s2 =	sadd.s32 s3, s2  }
0x5: {  	s2 =	sadd.s32 s2, s18  }
0x6: {  	[smem:$0x3FC5] =	sst s2  }
0x7: {  	_ = 	snop  }
0x8: {  	s2 =	sld [smem:$0x3FC8];
	(tm) =	ssettm $0x1  }
0x9: {  	s19 =	sld [smem:$0x3FFB];
	_ =	sdelay $0x3  }
0xa: {  	_ =	strace s19  }
0xb: {  	s3 =	sld [smem:$0x3FFC];
	_ =	sdelay $0x3  }
0xc: {  	_ =	strace s3  }
0xd: {  	s3 =	sld [smem:$0x3FFD];
	_ =	sdelay $0x3  }
0xe: {  	_ =	strace s3  }
0xf: {  	_ =	strace $0x8FFFFFFF  }
0x10: {  	s20 =	sld [smem:$0x3FDB];
	_ =	sdelay $0x1  }
0x11: {  	s4 =	simm.s32 $_scs_section_size  }
0x12: {  	s5 =	simm.s32 $_size__tile_overlayer_lowered;
	s6 =	simm.s32 $_tile_overlayer_lowered  }
0x13: {  	s23 =	simm.s32 $0x1BFF;
	s22 =	sshll.u32 s6, $0x1;
	s3 =	sadd.s32 s4, s20  }
0x14: {  	s7 =	simm.s32 $0x0;
	s21 =	sshll.u32 s5, $0x1;
	s5 =	sadd.s32 s22, s3  }
0x15: {  	[timem:s7], [sflag:s23] =	dma.local [hbm:s5], s21  }
0x16: {  	_ =	swait.ge [sflag:s23], s21  }
0x17: {  	s4 =	ssub.s32 $0x0, s21;
	[sflag:s23] =	ssyncset.done $0x0  }
0x18: {  	[sflag:s23] =	ssyncadd.s32 s4;
	_ =	sdelay $0x1  }
0x19: {  	s24 =	simm.s32 $0x1B8B  }
0x1a: {  	_ =	swait.ge [sflag:s24], $0x1  }
0x1b: {  	[sflag:s24] =	ssyncset.done $0x0  }
0x1c: {  	s26 =	simm.s32 $0x1B8E;
	s25 =	sld [smem:$0x3FFE];
	[sflag:s24] =	ssyncadd.s32 $0xFFFFFFFF  }
0x1d: {  	s27 =	simm.s32 $execute0_lowered;
	[smem:$0x3FD2] =	sst s26  }
0x1e: {  	s5 =	sshll.u32 s27, $0x1;
	_ =	strace $0x80000046;
	[dreg:$0x1] =	wrdreg $0xFFFFFFFF  }
0x1f: {  	s28 =	simm.s32 $_size_execute0_lowered;
	s3 =	sadd.s32 s3, s5;
	[dreg:$0x0] =	wrdreg $0x0  }
0x20: {  	s5 =	sshll.u32 s28, $0x1;
	[dreg:$0x2] =	wrdreg s3  }
0x21: {  	[dreg:$0x3] =	wrdreg s5  }
0x22: {  	[dreg:$0x4] =	wrdreg $0xC0  }
0x23: {  	_ =	task [dreg:s7], $0x5FFFF  }
0x24: {  	[dreg:$0x1] =	wrdreg $0xFFFFFFFF  }
0x25: {  	[dreg:$0x0] =	wrdreg $0x60  }
0x26: {  	[dreg:$0x2] =	wrdreg s2  }
0x27: {  	[dreg:$0x3] =	wrdreg s25  }
0x28: {  	[dreg:$0x4] =	wrdreg $0x9  }
0x29: {  	_ =	task.clear_ibuf [dreg:s7], $0x5FFFF;
	_ =	strace $0x90000046  }
0x2a: {  	s29 =	simm.s32 $0x9;
	_ =	strace $0x80000048  }
0x2b: {  	_ =	swait.ge [sflag:s29], $0x1  }
0x2c: {  	[sflag:s29] =	ssyncadd.s32 $0xFFFFFFFF  }
0x2d: {  	_ =	strace $0x90000048  }
0x2e: {  	_ =	sfence  }
0x2f: {  	s30 =	sld [smem:$0x0];
	_ =	sdelay $0x2  }
0x30: {  	s31 =	sshll.u32 s1, $0xD;
	s1 =	sshrl.u32 s1, $0x2  }
0x31: {  	s3 =	sand.u32 $0x4000, s31;
	s1 =	sadd.s32 s1, s30  }
0x32: {  	s0 =	sor.u32 s3, s0;
	s1 =	sshll.u32 s1, $0x11  }
0x33: {  	s0 =	sor.u32 s1, s0  }
0x34: {  	s0 =	sadd.s32 $0x8F2B, s0  }
0x35: {  	[sflag:s0] =	ssyncadd.remote.s32 $0x1  }
0x36: {  	_ =	sfence.sel $0xFFFF  }
0x37: {  	[dreg:$0x0] =	wrdreg $0xFFFFFFFF;
	(pc) =	sbr.abs _section_cstart, $3  }
0x38: {  	[dreg:$0x1] =	wrdreg $0xFFFFFFFF  }
0x39: {  	_ =	task.clear_ibuf [dreg:s7], $0x2FFFF;
	_ =	strace $0x9FFFFFFF  }
0x3a: {  	(tm) =	ssettm $0x7FFFFFFF  }
0x3b: {  	_ =	shalt  }
tec
execute0_lowered:
.L_overlay_start_1:
0x0: {  	(tag) =	ssettag $0x1  }
0x1: {  	s0 =	srdreg.scid;
	s2 =	rddreg [dreg:$0x0]  }
0x2: {  	s5 =	rddreg [dreg:$0x1];
	s1 =	stileid.u32  }
0x3: {  	s4 =	simm.s32 $0x1;
	s6 =	simm.s32 $0x2;
	s15 =	simm.s32 $0x0  }
0x4: {  	p0 =	por $0x0, $0x0;
	s8 =	simm.s32 $0x80;
	s0 =	sshll.u32 s0, $0x4  }
0x5: {  	s14 =	simm.s32 $0x0;
	s9 =	simm.s32 $0x0;
	s3 =	sand.u32 $0x10, s0  }
.Ltmp0:
0x6: {  	s10 =	simm.s32 $0x0;
	s3 =	sor.u32 s1, s3;
	(pc) =	sbr.rel .LBB1_1-.Ltmp0, $4  }
0x7: {  	s0 =	rddreg [dreg:$0x2];
	_ =	strace $0x80000047;
	s3 =	sshll.u32 s3, $0x7  }
0x8: {  	s12 =	simm.s32 $0x0;
	[sflag:s4] =	ssyncpa.u1 $0x0;
	s7 =	ssub.s32 $0xF4200, s3  }
0x9: {  	s13 =	simm.s32 $0x0;
	[sflag:s6] =	ssyncpa.u1 $0x0;
	s6 =	sshrl.u32 s7, $0xC  }
0xa: {  	s5 =	sadd.s32 $0x1000, s5;
	s11 =	smov.u32 s3;
	s7 =	sadd.s32 $0x2, s6  }
.LBB1_5:
0xb: {  	p1 =	slt.u32 s13, $0x2  }
0xc: {  	s17 =	smov.u32 s15;
	p2 =	sgt.s32 @!p1 s15, $0xF41C0;
	s16 =	sshra.s32 @!p1 s15, $0x1F  }
0xd: {  	p3 =	sgt.s32 @!p1 s14, $0x40;
	s18 =	sshra.s32 @!p1 s14, $0x1F;
	p2 =	por !p2, p1  }
0xe: {  	s15 =	sand.u32 @!p1 s16, s15;
	p3 =	por !p3, p1;
	s16 =	smov.u32 s14  }
0xf: {  	s14 =	sand.u32 @!p1 s18, s14;
	s17 =	simm.s32 @p2 $0xF41C0;
	s16 =	simm.s32 @p3 $0x40  }
0x10: {  	s15 =	ssub.s32 @!p1 s17, s15;
	s14 =	ssub.s32 @!p1 s16, s14  }
0x11: {  	s18 =	smov.u32 s12;
	s16 =	sadd.s32 @!p1 $0xFFF0BE40, s15;
	s17 =	sadd.s32 @!p1 $0xFFFFFFC0, s14  }
0x12: {  	s15 =	ssub.s32 @!p1 $0xF4240, s15;
	p2 =	sgt.s32 @!p1 s16, $0x7F;
	p3 =	sgt.s32 @!p1 s17, $0x3F  }
0x13: {  	s14 =	ssub.s32 @!p1 $0x80, s14;
	p2 =	por !p2, p1;
	p3 =	por !p3, p1  }
0x14: {  	s16 =	sadd.s32 $0x1000, s11;
	s15 =	simm.s32 @!p2 $0x0;
	s14 =	simm.s32 @!p3 $0x0  }
0x15: {  	p2 =	sgt.s32 s16, $0xF423F;
	s14 =	smul.u32 @!p1 s14, s15;
	s15 =	sadd.s32 $0x40, s12  }
0x16: {  	s18 =	smov.u32 @p2 s15  }
0x17: {  	s16 =	smov.u32 @p2 s3;
	p2 =	sgt.s32 s18, $0x3F  }
0x18: {  	s18 =	simm.s32 @p2 $0x0;
	p2 =	sne.s32 s13, s7  }
.Ltmp1:
0x19: {  	p0 =	por !p0, !p0;
	s17 =	simm.s32 @!p1 $0x2;
	(pc) =	sbr.rel @!p2 .LBB1_6-.Ltmp1, $4  }
0x1a: {  	s15 =	smov.u32 s9;
	s9 =	smov.u32 s11;
	s14 =	sand.u32 @!p1 $0x3FFFFFFF, s14  }
0x1b: {  	s11 =	smov.u32 s16;
	_ =	swait.ge @!p1 [sflag:s17], s14;
	s19 =	ssub.s32 @!p1 $0x0, s14  }
0x1c: {  	s14 =	smov.u32 s10;
	s13 =	sadd.s32 $0x1, s13;
	[sflag:s17] =	ssyncset.done @!p1 $0x0  }
0x1d: {  	s10 =	smov.u32 s12;
	s12 =	smov.u32 s18;
	[sflag:s17] =	ssyncadd.s32 @!p1 s19  }
.LBB1_1:
0x1e: {  	p1 =	sgt.u32 s13, s6  }
0x1f: {  	s16 =	sshrl.u32 @!p1 s12, $0x3  }
0x20: {  	s17 =	sshll.u32 @!p1 s11, $0x3;
	s16 =	smul.u32 @!p1 $0x7A1400, s16  }
0x21: {  	s18 =	sshll.u32 @!p1 s12, $0x7;
	s17 =	sand.u32 @!p1 $0xFFFFFC00, s17  }
0x22: {  	s16 =	sadd.s32 @!p1 s16, s17;
	s17 =	sand.u32 @!p1 $0x380, s18  }
0x23: {  	s18 =	sand.u32 @!p1 $0x7F, s11;
	s16 =	sor.u32 @!p1 s17, s16  }
0x24: {  	s17 =	sor.u32 @!p1 s18, s16  }
0x25: {  	s18 =	smulhi.u32 @!p1 $0x218D6287, s17;
	_ =	sdelay $0x1  }
0x26: {  	s16 =	smulhi.u32 @!p1 $0x218D6287, s16;
	s18 =	sshrl.u32 @!p1 s18, $0x11  }
0x27: {  	s18 =	smul.u32 @!p1 $0xF4280, s18  }
0x28: {  	s19 =	sxor.u32 @!p1 $0xFFFFFFFF, s13;
	s16 =	sshrl.u32 @!p1 s16, $0x11  }
0x29: {  	s19 =	sshll.u32 @!p1 s19, $0xD;
	s16 =	sand.u32 @!p1 $0x3F, s16;
	s17 =	ssub.s32 @!p1 s17, s18  }
0x2a: {  	s16 =	smul.u32 @!p1 $0x1E850, s16;
	s18 =	sshrl.u32 @!p1 s17, $0x3;
	s17 =	sand.u32 @!p1 $0x7, s17  }
0x2b: {  	s19 =	sand.u32 @!p1 $0x2000, s19;
	s18 =	sadd.s32 @!p1 s2, s18;
	s17 =	sshll.u32 @!p1 s17, $0x12  }
0x2c: {  	s16 =	sadd.s32 @!p1 s16, s18;
	s17 =	sor.u32 @!p1 $0x400, s17;
	s18 =	simm.s32 @!p1 $0x7A1400  }
0x2d: {  	[tilespmem:s19], [sflag:$0x1] =	stream.strided.gather @!p1 [hbm4b:s16+s17], $0x2000, s18, s17, $0x38;
	[tilespmem:$0x8100] =	vst v63  }
0x2e: {  	p1 =	seq.s32 s13, $0x0  }
0x2f: {  	p2 =	sge.u32 @!p1 s13, s7  }
0x30: {  	p1 =	por p1, p2  }
.Ltmp2:
0x31: {  	_ = 	snop;
	(pc) =	sbr.rel @p1 .LBB1_5-.Ltmp2, $1  }
0x32: {  	_ =	sdelay $0x3  }
0x33: {  	s16 =	simm.s32 $0x1  }
0x34: {  	_ =	swait.ge [sflag:s4], $0x2000;
	s16 =	simm.s32 @!p0 $0x0  }
0x35: {  	[sflag:s4] =	ssyncset.done $0x0;
	s17 =	sshll.u32 s16, $0xD  }
0x36: {  	[sflag:s4] =	ssyncadd.s32 $0xFFFFE000;
	s17 =	sor.u32 $0x40, s17  }
0x37: {  	s16 =	smul.u32 $0x8200, s16;
	v0 =	vld [tilespmem:s17+$0x30]  }
0x38: {  	v1 =	vld [tilespmem:s17+$0xFFFFFFD0]  }
0x39: {  	s16 =	sshrl.u32 s16, $0x2;
	v5 =	vld [tilespmem:s17+$0xFFFFFFE0]  }
0x3a: {  	v6 =	vld [tilespmem:s17+$0xFFFFFFF0];
	s19 =	sor.u32 $0x4000, s16  }
0x3b: {  	s31 =	sand.u32 $0x1, s13;
	v4 =	vld [tilespmem:s17+$0x0];
	s18 =	sadd.s32 $0x0, s19  }
0x3c: {  	v3 =	vld [tilespmem:s17+$0x10];
	s16 =	smul.u32 $0x8200, s31;
	[tilespmem:s18+$0x1C70 ss:$0x41] =	vst.msk $0xffff, v0  }
0x3d: {  	v2 =	vld [tilespmem:s17+$0x20];
	[tilespmem:s18+$0x410 ss:$0x41] =	vst.msk $0xffff, v1  }
0x3e: {  	s16 =	sshrl.u32 s16, $0x2;
	v1 =	vld [tilespmem:s17+$0xFFFFFFC0];
	[tilespmem:s18+$0x820 ss:$0x41] =	vst.msk $0xffff, v5;
	s17 =	sadd.s32 $0x80, s17  }
0x3f: {  	s20 =	simm.s32 $0x4;
	s21 =	simm.s32 $0x8;
	s16 =	sor.u32 $0x4000, s16;
	[tilespmem:s18+$0xC30 ss:$0x41] =	vst.msk $0xffff, v6;
	v0 =	vld [tilespmem:s17+$0x30]  }
.LBB1_3:
0x40: {  	p1 =	sne.s32 s21, $0xFC;
	v5 =	vld [tilespmem:s17+$0xFFFFFFD0];
	[tilespmem:s18+$0x1040 ss:$0x41] =	vst.msk $0xffff, v4  }
0x41: {  	v6 =	vld [tilespmem:s17+$0xFFFFFFE0];
	[tilespmem:s18+$0x1450 ss:$0x41] =	vst.msk $0xffff, v3  }
0x42: {  	s22 =	sshra.s32 s20, $0x2;
	s20 =	smov.u32 s21;
	v7 =	vld [tilespmem:s17+$0xFFFFFFF0];
	[tilespmem:s18+$0x1860 ss:$0x41] =	vst.msk $0xffff, v2  }
.Ltmp3:
0x43: {  	v4 =	vld [tilespmem:s17+$0x0];
	[tilespmem:s18+$0x0 ss:$0x41] =	vst.msk $0xffff, v1;
	s18 =	sadd.s32 s22, s19;
	(pc) =	sbr.rel @p1 .LBB1_3-.Ltmp3, $4  }
0x44: {  	v3 =	vld [tilespmem:s17+$0x10];
	[tilespmem:s18+$0x1C70 ss:$0x41] =	vst.msk $0xffff, v0  }
0x45: {  	[tilespmem:s18+$0x410 ss:$0x41] =	vst.msk $0xffff, v5;
	v2 =	vld [tilespmem:s17+$0x20]  }
0x46: {  	v1 =	vld [tilespmem:s17+$0xFFFFFFC0];
	[tilespmem:s18+$0x820 ss:$0x41] =	vst.msk $0xffff, v6;
	s17 =	sadd.s32 $0x80, s17  }
0x47: {  	s21 =	sadd.s32 $0x4, s21;
	v0 =	vld [tilespmem:s17+$0x30];
	[tilespmem:s18+$0xC30 ss:$0x41] =	vst.msk $0xffff, v7  }
0x48: {  	s21 =	sshll.u32 s9, $0x7;
	s22 =	sshll.u32 s10, $0x3;
	s20 =	sshra.s32 s20, $0x2  }
0x49: {  	p1 =	sgt.s32 s9, $0xF41C0;
	s30 =	sshra.s32 s9, $0x1F;
	s25 =	sshra.s32 s10, $0x1F  }
0x4a: {  	v5 =	vld [tilespmem:s17+$0xFFFFFFD0];
	s28 =	sshrl.u32 s10, $0x3;
	s23 =	sand.u32 $0xFFFFFC00, s21;
	s22 =	sand.u32 $0xFFFFFC00, s22  }
0x4b: {  	[tilespmem:s18+$0x1040 ss:$0x41] =	vst.msk $0xffff, v4;
	v58 =	vld [tilespmem:s17+$0xFFFFFFE0];
	s21 =	sand.u32 $0x380, s21;
	s19 =	sadd.s32 s20, s19;
	s22 =	sadd.s32 s22, s23  }
0x4c: {  	v59 =	vld [tilespmem:s17+$0xFFFFFFF0];
	[tilespmem:s18+$0x1450 ss:$0x41] =	vst.msk $0xffff, v3;
	s29 =	sor.u32 s21, s22;
	s21 =	smov.u32 s9;
	s22 =	sand.u32 s30, s9  }
0x4d: {  	v60 =	vld [tilespmem:s17+$0x0];
	[tilespmem:s18+$0x1860 ss:$0x41] =	vst.msk $0xffff, v2;
	s30 =	sand.u32 $0x7, s10;
	s20 =	sshrl.u32 s29, $0x7;
	s21 =	simm.s32 @!p1 $0xF41C0  }
0x4e: {  	v61 =	vld [tilespmem:s17+$0x10];
	[tilespmem:s18+$0x0 ss:$0x41] =	vst.msk $0xffff, v1;
	p1 =	sgt.s32 s10, $0x40;
	s24 =	ssub.s32 s21, s22;
	s21 =	smov.u32 s10  }
0x4f: {  	v62 =	vld [tilespmem:s17+$0x20];
	[tilespmem:s19+$0x1C70 ss:$0x41] =	vst.msk $0xffff, v0;
	s31 =	smulhi.u32 $0x218DEF5, s20;
	s22 =	sand.u32 s25, s10;
	s21 =	simm.s32 @!p1 $0x40  }
0x50: {  	v63 =	vld [tilespmem:s17+$0xFFFFFFC0];
	[tilespmem:s19+$0x410 ss:$0x41] =	vst.msk $0xffff, v5;
	s26 =	sadd.s32 $0xFFF0BE40, s24;
	s17 =	ssub.s32 $0xF4240, s24;
	s21 =	ssub.s32 s21, s22  }
0x51: {  	[tilespmem:s19+$0x820 ss:$0x41] =	vst.msk $0xffff, v58;
	s23 =	sshrl.u32 s31, $0xD;
	p1 =	sgt.s32 s26, $0x7F;
	s27 =	sadd.s32 $0xFFFFFFC0, s21  }
0x52: {  	[tilespmem:s19+$0xC30 ss:$0x41] =	vst.msk $0xffff, v59;
	s23 =	smul.u32 $0xF4240, s23;
	s18 =	ssub.s32 $0x80, s21;
	p2 =	sgt.s32 s27, $0x3F  }
.Ltmp4:
0x53: {  	[tilespmem:s19+$0x1040 ss:$0x41] =	vst.msk $0xffff, v60;
	s17 =	simm.s32 @p1 $0x0;
	s18 =	simm.s32 @p2 $0x0;
	(pc) =	sbr.rel .LBB1_5-.Ltmp4, $4  }
0x54: {  	s29 =	sand.u32 $0xF, s28;
	[tilespmem:s19+$0x1450 ss:$0x41] =	vst.msk $0xffff, v61;
	s20 =	ssub.s32 s20, s23;
	s17 =	smul.u32 s18, s17  }
0x55: {  	[tilespmem:s19+$0x1860 ss:$0x41] =	vst.msk $0xffff, v62;
	s21 =	sshll.u32 s30, $0x12;
	s20 =	sshll.u32 s20, $0x4;
	s18 =	sadd.s32 s5, s29  }
0x56: {  	[tilespmem:s19+$0x0 ss:$0x41] =	vst.msk $0xffff, v63;
	s31 =	sor.u32 $0x40, s21;
	s18 =	sadd.s32 s20, s18;
	s17 =	sand.u32 $0x3FFFFFFF, s17  }
0x57: {  	[hbm4b:s18+s31] =	stream.strided.scatter [tilespmem:s16], [sflag:$0x2], s17, s8, s31, $0x18;
	[tilespmem:$0x8100] =	vst v63  }
.LBB1_6:
0x58: {  	_ =	sfence.sel $0x180000  }
0x59: {  	s2 =	simm.s32 $0x1;
	[bflag:$0x0] =	sbarrier.arrive $0xFFFF  }
0x5a: {  	s31 =	simm.s32 $0x2;
	[sflag:s2] =	ssyncpa.u1 $0x1  }
0x5b: {  	[sflag:s31] =	ssyncpa.u1 $0x1  }
0x5c: {  	p0 =	sne.s32 s1, $0x0;
	_ =	strace $0x90000047  }
0x5d: {  	s0 =	sadd.s32 @!p0 $0x100000, s0;
	[bflag:$0x2] =	sbarrier.arrive $0xFFFF  }
0x5e: {  	[sflag:s0] =	ssyncadd.tile.s32 @!p0 $0x1;
	_ =	shalt  }
.Lfunc_end1:
_tile_overlayer_lowered:
.L_overlay_start_2:
0x5f: {  	(tag) =	ssettag $0x2  }
0x60: {  	s0 =	rddreg [dreg:$0x0];
	s2 =	stileid.u32  }
0x61: {  	s1 =	rddreg [dreg:$0x1];
	p0 =	sne.s32 s2, $0x0  }
0x62: {  	s3 =	rddreg [dreg:$0x2];
	[bflag:$0x3] =	sbarrier.arrive $0xFFFF;
	s2 =	simm.s32 @!p0 $0x1C01  }
0x63: {  	[timem:s3], [sflag:s2] =	dma.local @!p0 [hbm:s0], s1  }
0x64: {  	s0 =	simm.s32 @!p0 $0x1  }
0x65: {  	_ =	swait.ge @!p0 [sflag:s0], s1  }
0x66: {  	s1 =	ssub.s32 @!p0 $0x0, s1;
	[sflag:s0] =	ssyncset.done @!p0 $0x0  }
0x67: {  	[sflag:s0] =	ssyncadd.s32 @!p0 s1  }
0x68: {  	[bflag:$0x3] =	sbarrier.arrive $0xFFFF  }
0x69: {  	_ =	shalt  }

// kernel: sparse-core-data-format-call.cloned.1.call-start
scs
called_computation_lowered:
.L_overlay_start_0:
0x0: {  	s2 =	sld [smem:$0x3FD9]  }
0x1: {  	s3 =	sld [smem:$0x3FFE];
	_ =	sdelay $0x1  }
0x2: {  	s1 =	srdreg.scid  }
0x3: {  	s0 =	sand.u32 $0x1, s1  }
0x4: {  	s18 =	sshll.u32 s0, $0xA;
	s2 =	sadd.s32 s3, s2  }
0x5: {  	s2 =	sadd.s32 s2, s18  }
0x6: {  	[smem:$0x3FC5] =	sst s2  }
0x7: {  	_ = 	snop  }
0x8: {  	s2 =	sld [smem:$0x3FD0];
	(tm) =	ssettm $0x1  }
0x9: {  	s19 =	sld [smem:$0x3FFB];
	_ =	sdelay $0x3  }
0xa: {  	_ =	strace s19  }
0xb: {  	s3 =	sld [smem:$0x3FFC];
	_ =	sdelay $0x3  }
0xc: {  	_ =	strace s3  }
0xd: {  	s3 =	sld [smem:$0x3FFD];
	_ =	sdelay $0x3  }
0xe: {  	_ =	strace s3  }
0xf: {  	_ =	strace $0x8FFFFFFF  }
0x10: {  	s20 =	sld [smem:$0x3FDB];
	_ =	sdelay $0x1  }
0x11: {  	s4 =	simm.s32 $_scs_section_size  }
0x12: {  	s5 =	simm.s32 $_size__tile_overlayer_lowered;
	s6 =	simm.s32 $_tile_overlayer_lowered  }
0x13: {  	s23 =	simm.s32 $0x1BFF;
	s22 =	sshll.u32 s6, $0x1;
	s3 =	sadd.s32 s4, s20  }
0x14: {  	s7 =	simm.s32 $0x0;
	s21 =	sshll.u32 s5, $0x1;
	s5 =	sadd.s32 s22, s3  }
0x15: {  	[timem:s7], [sflag:s23] =	dma.local [hbm:s5], s21  }
0x16: {  	_ =	swait.ge [sflag:s23], s21  }
0x17: {  	s4 =	ssub.s32 $0x0, s21;
	[sflag:s23] =	ssyncset.done $0x0  }
0x18: {  	[sflag:s23] =	ssyncadd.s32 s4;
	_ =	sdelay $0x1  }
0x19: {  	s24 =	simm.s32 $0x1B8B  }
0x1a: {  	_ =	swait.ge [sflag:s24], $0x1  }
0x1b: {  	[sflag:s24] =	ssyncset.done $0x0  }
0x1c: {  	s26 =	simm.s32 $0x1B8E;
	s25 =	sld [smem:$0x3FFE];
	[sflag:s24] =	ssyncadd.s32 $0xFFFFFFFF  }
0x1d: {  	s27 =	simm.s32 $execute0_lowered;
	[smem:$0x3FD2] =	sst s26  }
0x1e: {  	s5 =	sshll.u32 s27, $0x1;
	_ =	strace $0x8000004C;
	[dreg:$0x1] =	wrdreg $0xFFFFFFFF  }
0x1f: {  	s28 =	simm.s32 $_size_execute0_lowered;
	s3 =	sadd.s32 s3, s5;
	[dreg:$0x0] =	wrdreg $0x0  }
0x20: {  	s5 =	sshll.u32 s28, $0x1;
	[dreg:$0x2] =	wrdreg s3  }
0x21: {  	[dreg:$0x3] =	wrdreg s5  }
0x22: {  	[dreg:$0x4] =	wrdreg $0xC0  }
0x23: {  	_ =	task [dreg:s7], $0x5FFFF  }
0x24: {  	[dreg:$0x1] =	wrdreg $0xFFFFFFFF  }
0x25: {  	[dreg:$0x0] =	wrdreg $0x60  }
0x26: {  	[dreg:$0x2] =	wrdreg s25  }
0x27: {  	[dreg:$0x3] =	wrdreg s2  }
0x28: {  	[dreg:$0x4] =	wrdreg $0x9  }
0x29: {  	_ =	task.clear_ibuf [dreg:s7], $0x5FFFF;
	_ =	strace $0x9000004C  }
0x2a: {  	s29 =	simm.s32 $0x9;
	_ =	strace $0x8000004E  }
0x2b: {  	_ =	swait.ge [sflag:s29], $0x1  }
0x2c: {  	[sflag:s29] =	ssyncadd.s32 $0xFFFFFFFF  }
0x2d: {  	_ =	strace $0x9000004E  }
0x2e: {  	_ =	sfence  }
0x2f: {  	s30 =	sld [smem:$0x0];
	_ =	sdelay $0x2  }
0x30: {  	s31 =	sshll.u32 s1, $0xD;
	s1 =	sshrl.u32 s1, $0x2  }
0x31: {  	s3 =	sand.u32 $0x4000, s31;
	s1 =	sadd.s32 s1, s30  }
0x32: {  	s0 =	sor.u32 s3, s0;
	s1 =	sshll.u32 s1, $0x11  }
0x33: {  	s0 =	sor.u32 s1, s0  }
0x34: {  	s0 =	sadd.s32 $0x8F2B, s0  }
0x35: {  	[sflag:s0] =	ssyncadd.remote.s32 $0x1  }
0x36: {  	_ =	sfence.sel $0xFFFF  }
0x37: {  	[dreg:$0x0] =	wrdreg $0xFFFFFFFF;
	(pc) =	sbr.abs _section_cstart, $3  }
0x38: {  	[dreg:$0x1] =	wrdreg $0xFFFFFFFF  }
0x39: {  	_ =	task.clear_ibuf [dreg:s7], $0x2FFFF;
	_ =	strace $0x9FFFFFFF  }
0x3a: {  	(tm) =	ssettm $0x7FFFFFFF  }
0x3b: {  	_ =	shalt  }
tec
execute0_lowered:
.L_overlay_start_1:
0x0: {  	(tag) =	ssettag $0x1  }
0x1: {  	s0 =	srdreg.scid  }
0x2: {  	s1 =	sshll.u32 s0, $0x4  }
0x3: {  	s0 =	stileid.u32;
	s1 =	sand.u32 $0x10, s1  }
0x4: {  	s1 =	sor.u32 s0, s1  }
0x5: {  	s6 =	rddreg [dreg:$0x0];
	s4 =	simm.s32 $0x1;
	s2 =	sshll.u32 s1, $0x7  }
0x6: {  	s7 =	simm.s32 $0x2;
	s12 =	simm.s32 $0x0;
	s1 =	ssub.s32 $0x1000, s2  }
0x7: {  	s8 =	simm.s32 $0x8000;
	s13 =	simm.s32 $0x0;
	s3 =	sand.u32 $0xF80, s1  }
0x8: {  	s9 =	simm.s32 $0x0;
	s5 =	sshrl.u32 s1, $0xC;
	p0 =	sne.s32 s3, $0x0  }
.Ltmp0:
0x9: {  	s1 =	rddreg [dreg:$0x2];
	s4 =	simm.s32 @!p0 $0x0;
	(pc) =	sbr.rel .LBB1_1-.Ltmp0, $4  }
0xa: {  	s11 =	simm.s32 $0x0;
	s3 =	rddreg [dreg:$0x1];
	s5 =	sadd.s32 s4, s5  }
0xb: {  	_ =	strace $0x8000004D;
	s4 =	simm.s32 $0x1;
	s5 =	smul.u32 $0xC8, s5  }
0xc: {  	s6 =	sadd.s32 $0x1000, s6;
	s10 =	smov.u32 s2;
	[sflag:s4] =	ssyncpa.u1 $0x0  }
0xd: {  	p0 =	por $0x0, $0x0;
	[sflag:s7] =	ssyncpa.u1 $0x0;
	s7 =	sor.u32 $0x1, s5  }
.LBB1_4:
0xe: {  	s16 =	sshll.u32 s13, $0x3;
	s17 =	sand.u32 $0x78, s13  }
0xf: {  	s30 =	sand.u32 $0x7E00, s13;
	s12 =	sshll.u32 s12, $0xF;
	s16 =	sand.u32 $0xC00, s16  }
0x10: {  	[tilespmem:s15+$0x810 ss:$0x81] =	vst.msk $0xffff, v2;
	s31 =	sand.u32 $0x7, s13;
	s16 =	sor.u32 s17, s16;
	s17 =	sadd.s32 s3, s30  }
0x11: {  	[tilespmem:s15+$0x1020 ss:$0x81] =	vst.msk $0xffff, v0;
	s13 =	sshll.u32 s31, $0x12;
	s12 =	sadd.s32 s12, s17;
	s16 =	sshrl.u32 s16, $0x3  }
0x12: {  	[tilespmem:s15+$0x0 ss:$0x81] =	vst.msk $0xffff, v1;
	s13 =	sor.u32 $0x400, s13;
	s12 =	sadd.s32 s16, s12  }
0x13: {  	[hbm4b:s12+s13] =	stream.strided.scatter [tilespmem:s14], [sflag:$0x2], $0x2000, s8, s13, $0x20;
	[tilespmem:$0x8080] =	vst v63  }
.LBB1_5:
0x14: {  	s14 =	sadd.s32 $0x1, s9  }
0x15: {  	s12 =	sadd.s32 $0x1000, s10;
	s16 =	smov.u32 s10;
	p2 =	sgt.s32 s14, $0xC7  }
0x16: {  	s16 =	smov.u32 @p2 s12  }
0x17: {  	s14 =	simm.s32 @p2 $0x0;
	p2 =	sgt.s32 s16, $0xFFF  }
0x18: {  	s16 =	smov.u32 @p2 s2;
	p2 =	sne.s32 s11, s7  }
.Ltmp1:
0x19: {  	p1 =	slt.u32 s11, $0x2;
	(pc) =	sbr.rel @!p2 .LBB1_6-.Ltmp1, $4  }
0x1a: {  	s15 =	simm.s32 @!p1 $0x2  }
0x1b: {  	s13 =	smov.u32 s10;
	p0 =	por !p0, !p0;
	_ =	swait.ge @!p1 [sflag:s15], $0x2000  }
0x1c: {  	s12 =	smov.u32 s9;
	[sflag:s15] =	ssyncset.done @!p1 $0x0;
	s9 =	smov.u32 s14  }
0x1d: {  	s11 =	sadd.s32 $0x1, s11;
	[sflag:s15] =	ssyncadd.s32 @!p1 $0xFFFFE000;
	s10 =	smov.u32 s16  }
.LBB1_1:
0x1e: {  	p1 =	sge.u32 s11, s5  }
0x1f: {  	s14 =	sand.u32 @!p1 $0x1FFFFFF, s9  }
0x20: {  	s15 =	smulhi.u32 @!p1 $0x147AE15, s14;
	_ =	sdelay $0x1  }
0x21: {  	s15 =	smul.u32 @!p1 $0xC8, s15  }
0x22: {  	s16 =	sxor.u32 @!p1 $0xFFFFFFFF, s11;
	s17 =	smul.u32 @!p1 $0xC80, s10  }
0x23: {  	s31 =	sadd.s32 $0xFFFFFFFF, s11;
	s16 =	sshll.u32 @!p1 s16, $0xD;
	s14 =	ssub.s32 @!p1 s14, s15  }
0x24: {  	s15 =	sand.u32 @!p1 $0x2000, s16;
	s16 =	sadd.s32 @!p1 s6, s17;
	s14 =	sshll.u32 @!p1 s14, $0x4  }
0x25: {  	s17 =	simm.s32 @!p1 $0x6400;
	s14 =	sadd.s32 @!p1 s14, s16;
	s16 =	simm.s32 @!p1 $0x40  }
0x26: {  	[tilespmem:s15], [sflag:$0x1] =	stream.strided.gather @!p1 [hbm4b:s14+s16], $0x2000, s17, s16, $0x38;
	[tilespmem:$0x8080] =	vst v63  }
0x27: {  	p1 =	sge.u32 s31, s5  }
.Ltmp2:
0x28: {  	_ = 	snop;
	(pc) =	sbr.rel @p1 .LBB1_5-.Ltmp2, $1  }
0x29: {  	_ =	sdelay $0x3  }
0x2a: {  	s14 =	simm.s32 $0x1  }
0x2b: {  	_ =	swait.ge [sflag:s4], $0x2000;
	s14 =	simm.s32 @!p0 $0x0  }
0x2c: {  	[sflag:s4] =	ssyncset.done $0x0;
	s15 =	sshll.u32 s14, $0xD  }
0x2d: {  	[sflag:s4] =	ssyncadd.s32 $0xFFFFE000;
	s18 =	sor.u32 $0x20, s15  }
0x2e: {  	s14 =	smul.u32 $0x8100, s14;
	v3 =	vld [tilespmem:s18+$0x10]  }
0x2f: {  	s30 =	sand.u32 $0x1, s11;
	v2 =	vld [tilespmem:s18+$0xFFFFFFF0]  }
0x30: {  	s15 =	smul.u32 $0x8100, s30;
	s14 =	sshrl.u32 s14, $0x2;
	v0 =	vld [tilespmem:s18+$0x0]  }
0x31: {  	v1 =	vld [tilespmem:s18+$0xFFFFFFE0];
	s16 =	sor.u32 $0x4000, s14  }
0x32: {  	s31 =	sshrl.u32 s15, $0x2;
	s15 =	sadd.s32 $0x0, s16  }
0x33: {  	s17 =	simm.s32 $0x4;
	s18 =	sadd.s32 $0x40, s18;
	s14 =	sor.u32 $0x4000, s31;
	[tilespmem:s15+$0x1830 ss:$0x81] =	vst.msk $0xffff, v3  }
.LBB1_3:
0x34: {  	v3 =	vld [tilespmem:s18+$0x10];
	p1 =	sne.s32 s17, $0x1FC;
	[tilespmem:s15+$0x810 ss:$0x81] =	vst.msk $0xffff, v2;
	s19 =	smov.u32 s17;
	s17 =	sadd.s32 $0x4, s17  }
.Ltmp3:
0x35: {  	v2 =	vld [tilespmem:s18+$0xFFFFFFF0];
	[tilespmem:s15+$0x1020 ss:$0x81] =	vst.msk $0xffff, v0;
	(pc) =	sbr.rel @p1 .LBB1_3-.Ltmp3, $4  }
0x36: {  	v0 =	vld [tilespmem:s18+$0x0];
	[tilespmem:s15+$0x0 ss:$0x81] =	vst.msk $0xffff, v1  }
0x37: {  	s15 =	sshra.s32 s19, $0x2;
	v1 =	vld [tilespmem:s18+$0xFFFFFFE0]  }
0x38: {  	s15 =	sadd.s32 s15, s16  }
0x39: {  	s18 =	sadd.s32 $0x40, s18;
	[tilespmem:s15+$0x1830 ss:$0x81] =	vst.msk $0xffff, v3  }
.Ltmp4:
0x3a: {  	_ = 	snop;
	(pc) =	sbr.rel .LBB1_4-.Ltmp4, $1  }
0x3b: {  	_ =	sdelay $0x3  }
.LBB1_6:
0x3c: {  	_ =	sfence.sel $0x180000  }
0x3d: {  	s2 =	simm.s32 $0x1;
	[bflag:$0x0] =	sbarrier.arrive $0xFFFF  }
0x3e: {  	s31 =	simm.s32 $0x2;
	[sflag:s2] =	ssyncpa.u1 $0x1  }
0x3f: {  	[sflag:s31] =	ssyncpa.u1 $0x1  }
0x40: {  	p0 =	sne.s32 s0, $0x0;
	_ =	strace $0x9000004D  }
0x41: {  	s0 =	sadd.s32 @!p0 $0x100000, s1;
	[bflag:$0x2] =	sbarrier.arrive $0xFFFF  }
0x42: {  	[sflag:s0] =	ssyncadd.tile.s32 @!p0 $0x1;
	_ =	shalt  }
.Lfunc_end1:
_tile_overlayer_lowered:
.L_overlay_start_2:
0x43: {  	(tag) =	ssettag $0x2  }
0x44: {  	s0 =	rddreg [dreg:$0x0];
	s2 =	stileid.u32  }
0x45: {  	s1 =	rddreg [dreg:$0x1];
	p0 =	sne.s32 s2, $0x0  }
0x46: {  	s3 =	rddreg [dreg:$0x2];
	[bflag:$0x3] =	sbarrier.arrive $0xFFFF;
	s2 =	simm.s32 @!p0 $0x1C01  }
0x47: {  	[timem:s3], [sflag:s2] =	dma.local @!p0 [hbm:s0], s1  }
0x48: {  	s0 =	simm.s32 @!p0 $0x1  }
0x49: {  	_ =	swait.ge @!p0 [sflag:s0], s1  }
0x4a: {  	s1 =	ssub.s32 @!p0 $0x0, s1;
	[sflag:s0] =	ssyncset.done @!p0 $0x0  }
0x4b: {  	[sflag:s0] =	ssyncadd.s32 @!p0 s1  }
0x4c: {  	[bflag:$0x3] =	sbarrier.arrive $0xFFFF  }
0x4d: {  	_ =	shalt  }

</sc_bundles>
